<compile_context>
chip_gen: v7x
topology: tpu7x:2x2x1
jax: 0.10.2.dev20260603
libtpu: 0.0.44.dev20260713+nightly
codegen_flags: <defaults>
</compile_context>

<pallas_src>
import functools

import jax
import jax.numpy as jnp
from jax import lax
from jax.experimental import pallas as pl
from jax.experimental.pallas import tpu as pltpu
from jax.experimental.pallas import tpu_sc as plsc

_N = 4
_H = 48
_W = 48
_CH = 256
_C = 64
_NH = 4
_CHUNK = 144
_L = _H * _W
_K = _L // _CHUNK
_HB = 16
_RES = 0.1
_ROWS = _N * _NH * _L
_PAD = 56

_f32 = jnp.float32
_bf16 = jnp.bfloat16


def _conv_body(x_ref, w1_ref, w2_ref, b1_ref, b2_ref, o1_ref, o2_ref, pad_ref):
    pad_ref[0:_PAD, :] = jnp.zeros((_PAD, _CH), _f32)
    pad_ref[_PAD + _L:, :] = jnp.zeros((_PAD, _CH), _f32)
    pad_ref[_PAD:_PAD + _L, :] = x_ref[0]
    wcol = lax.broadcasted_iota(jnp.int32, (_L, 1), 0) % _W
    acc1 = jnp.zeros((_L, _C), _f32)
    acc2 = jnp.zeros((_L, _CH), _f32)
    for kh in range(3):
        for kw in range(3):
            s = (kh - 1) * _W + (kw - 1)
            xs = pad_ref[_PAD + s:_PAD + s + _L, :]
            if kw == 0:
                xs = jnp.where(wcol > 0, xs, 0.0)
            elif kw == 2:
                xs = jnp.where(wcol < _W - 1, xs, 0.0)
            tap = kh * 3 + kw
            acc1 = acc1 + jnp.dot(xs, w1_ref[tap], preferred_element_type=_f32)
            acc2 = acc2 + jnp.dot(xs.astype(_bf16),
                                  w2_ref[tap].astype(_bf16),
                                  preferred_element_type=_f32)
    o1_ref[0] = acc1 + b1_ref[0:1, :]
    o2_ref[0] = acc2 + b2_ref[0:1, :]


_conv = pl.pallas_call(
    _conv_body,
    grid=(_N,),
    in_specs=[
        pl.BlockSpec((1, _L, _CH), lambda n: (n, 0, 0)),
        pl.BlockSpec((9, _CH, _C), lambda n: (0, 0, 0)),
        pl.BlockSpec((9, _CH, _CH), lambda n: (0, 0, 0)),
        pl.BlockSpec((1, _C), lambda n: (0, 0)),
        pl.BlockSpec((1, _CH), lambda n: (0, 0)),
    ],
    out_specs=[
        pl.BlockSpec((1, _L, _C), lambda n: (n, 0, 0)),
        pl.BlockSpec((1, _L, _CH), lambda n: (n, 0, 0)),
    ],
    out_shape=[
        jax.ShapeDtypeStruct((_N, _L, _C), _f32),
        jax.ShapeDtypeStruct((_N, _L, _CH), _f32),
    ],
    scratch_shapes=[pltpu.VMEM((_L + 2 * _PAD, _CH), _f32)],
)


def _hashpos_body(x2_ref, rot_ref, pos_ref, oh_ref, pv_ref):
    n = pl.program_id(0)
    r_all = jnp.dot(x2_ref[0], rot_ref[...], preferred_element_type=_f32)
    iota8 = lax.broadcasted_iota(jnp.int32, (_L, 8), 1)
    codes = []
    for h in range(_NH):
        rh = r_all[:, 8 * h:8 * h + 8]
        m1 = jnp.max(rh, axis=1, keepdims=True)
        mn = jnp.min(rh, axis=1, keepdims=True)
        a1 = jnp.min(jnp.where(rh == m1, iota8, 8), axis=1, keepdims=True)
        a2 = jnp.min(jnp.where(rh == mn, iota8, 8), axis=1, keepdims=True)
        code = jnp.where(m1 >= -mn, a1, a2 + 8)
        codes.append(jnp.broadcast_to(code + _HB * h, (_L, _HB)))
    code_wide = jnp.concatenate(codes, axis=1)
    lane = lax.broadcasted_iota(jnp.int32, (_L, 4 * _HB), 1)
    ohf = (lane == code_wide).astype(_f32)
    ur = lax.broadcasted_iota(jnp.int32, (64, 64), 0)
    uc = lax.broadcasted_iota(jnp.int32, (64, 64), 1)
    same = (ur // _HB) == (uc // _HB)
    u64 = (same & (ur < uc)).astype(_f32)
    g64 = same.astype(_f32)
    oh_ref[...] = ohf
    tot = jnp.sum(ohf, axis=0, keepdims=True)
    offs = jnp.dot(tot, u64, preferred_element_type=_f32,
                   precision=lax.Precision.HIGHEST)
    tr = lax.broadcasted_iota(jnp.int32, (128, 128), 0)
    tc = lax.broadcasted_iota(jnp.int32, (128, 128), 1)
    tril = (tr > tc).astype(_f32)

    def body(i, carry):
        chunk = oh_ref[pl.ds(i * 128, 128), :]
        local = jnp.dot(tril, chunk, preferred_element_type=_f32) + carry
        pv_ref[pl.ds(i * 128, 128), :] = chunk * (local + offs)
        return carry + jnp.sum(chunk, axis=0, keepdims=True)

    lax.fori_loop(0, _L // 128, body, jnp.zeros((1, 4 * _HB), _f32))
    s = jnp.dot(pv_ref[...], g64, preferred_element_type=_f32,
                precision=lax.Precision.HIGHEST)
    for h in range(_NH):
        nh = n * _NH + h
        pos_ref[h] = (s[:, _HB * h:_HB * h + 1].astype(jnp.int32) + nh * _L)


_hashpos = pl.pallas_call(
    _hashpos_body,
    grid=(_N,),
    in_specs=[
        pl.BlockSpec((1, _L, _C), lambda n: (n, 0, 0)),
        pl.BlockSpec((_C, _NH * 8), lambda n: (0, 0)),
    ],
    out_specs=pl.BlockSpec((_NH, _L, 1), lambda n: (n, 0, 0)),
    out_shape=jax.ShapeDtypeStruct((_N * _NH, _L, 1), jnp.int32),
    scratch_shapes=[
        pltpu.VMEM((_L, 4 * _HB), _f32),
        pltpu.VMEM((_L, 4 * _HB), _f32),
    ],
)


def _sc_mesh():
    return plsc.VectorSubcoreMesh(core_axis_name="c", subcore_axis_name="s")


_NW = 32
_PER_W = _ROWS // _NW
_CW = 128
_NCHUNK = _PER_W // _CW


def _sc_scatter(xsrc, ysrc, idx):
    @functools.partial(
        pl.kernel,
        out_type=[
            jax.ShapeDtypeStruct((_ROWS, 128), _f32),
            jax.ShapeDtypeStruct((_ROWS, _CH), _f32),
        ],
        mesh=_sc_mesh(),
        scratch_types=[
            pltpu.VMEM((_CW,), jnp.int32),
            pltpu.VMEM((_CW, 128), _f32),
            pltpu.VMEM((_CW, _CH), _f32),
            pltpu.SemaphoreType.DMA,
            pltpu.SemaphoreType.DMA,
        ],
    )
    def k(xsrc_hbm, ysrc_hbm, idx_hbm, xs_out, ys_out, idx_v, x_v, y_v,
          semx, semy):
        wid = lax.axis_index("s") * 2 + lax.axis_index("c")

        @pl.loop(0, _NCHUNK)
        def _(j):
            base = wid * _PER_W + j * _CW
            n = base // (_NH * _L)
            t0 = base % _L
            sbase = n * _L + t0
            pltpu.sync_copy(idx_hbm.at[pl.ds(base, _CW)], idx_v)
            pltpu.sync_copy(xsrc_hbm.at[pl.ds(sbase, _CW)], x_v)
            pltpu.sync_copy(ysrc_hbm.at[pl.ds(sbase, _CW)], y_v)
            cx = pltpu.async_copy(x_v, xs_out.at[idx_v], semx)
            cy = pltpu.async_copy(y_v, ys_out.at[idx_v], semy)
            cx.wait()
            cy.wait()

    return k(xsrc, ysrc, idx)


def _sc_gather(src, idx):
    @functools.partial(
        pl.kernel,
        out_type=jax.ShapeDtypeStruct((_ROWS, 384), _f32),
        mesh=_sc_mesh(),
        scratch_types=[
            pltpu.VMEM((_CW,), jnp.int32),
            pltpu.VMEM((_CW, 384), _f32),
            pltpu.SemaphoreType.DMA,
        ],
    )
    def k(src_hbm, idx_hbm, out_hbm, idx_v, r_v, sem):
        wid = lax.axis_index("s") * 2 + lax.axis_index("c")

        @pl.loop(0, _NCHUNK)
        def _(j):
            base = wid * _PER_W + j * _CW
            pltpu.sync_copy(idx_hbm.at[pl.ds(base, _CW)], idx_v)
            pltpu.async_copy(src_hbm.at[idx_v], r_v, sem).wait()
            pltpu.sync_copy(r_v, out_hbm.at[pl.ds(base, _CW)])

    return k(src, idx)


_EXT = _L + 2 * _CHUNK


def _att_body(x_ref, y_ref, o_ref, xn_ref, ye_ref):
    x = x_ref[:, 0:_C]
    sq = jnp.sum(x * x, axis=1, keepdims=True)
    xn = x * lax.rsqrt(jnp.maximum(sq, 5e-5))
    xn_ref[_CHUNK:_CHUNK + _L, :] = xn
    xn_ref[0:_CHUNK, :] = xn[_L - _CHUNK:_L, :]
    xn_ref[_CHUNK + _L:, :] = xn[0:_CHUNK, :]
    yb = y_ref[...].astype(_bf16)
    ye_ref[_CHUNK:_CHUNK + _L, :] = yb
    ye_ref[0:_CHUNK, :] = yb[_L - _CHUNK:_L, :]
    ye_ref[_CHUNK + _L:, :] = yb[0:_CHUNK, :]
    for k in range(_K):
        xk = x[k * _CHUNK:(k + 1) * _CHUNK, :]
        xm = xn_ref[k * _CHUNK:k * _CHUNK + 3 * _CHUNK, :]
        raw = lax.dot_general(xk, xm, (((1,), (1,)), ((), ())),
                              preferred_element_type=_f32)
        m = jnp.max(raw, axis=1, keepdims=True)
        e = jnp.exp(raw - m)
        ssum = jnp.sum(e, axis=1, keepdims=True)
        lse = m + jnp.log(ssum)
        score = (e / ssum).astype(_bf16)
        y3 = ye_ref[k * _CHUNK:k * _CHUNK + 3 * _CHUNK, :]
        ret = jnp.dot(score, y3, preferred_element_type=_f32)
        o_ref[k * _CHUNK:(k + 1) * _CHUNK, :] = jnp.concatenate(
            [ret, lse, jnp.zeros((_CHUNK, 127), _f32)], axis=1)


_att = pl.pallas_call(
    _att_body,
    grid=(_N * _NH,),
    in_specs=[
        pl.BlockSpec((_L, 128), lambda b: (b, 0)),
        pl.BlockSpec((_L, _CH), lambda b: (b, 0)),
    ],
    out_specs=pl.BlockSpec((_L, 384), lambda b: (b, 0)),
    out_shape=jax.ShapeDtypeStruct((_ROWS, 384), _f32),
    scratch_shapes=[
        pltpu.VMEM((_EXT, _C), _f32),
        pltpu.VMEM((_EXT, _CH), _bf16),
    ],
)


_LB = 256


def _comb_body(g_ref, xr_ref, o_ref):
    gg = g_ref[0]
    bs = gg[:, :, 256:257]
    m = jnp.max(bs, axis=0, keepdims=True)
    e = jnp.exp(bs - m)
    p = e / jnp.sum(e, axis=0, keepdims=True)
    acc = jnp.zeros((_LB, _CH), _f32)
    for h in range(_NH):
        acc = acc + gg[h, :, 0:_CH] * p[h]
    o_ref[0] = jnp.transpose(acc) * _RES + xr_ref[0]


_combine = pl.pallas_call(
    _comb_body,
    grid=(_N, _L // _LB),
    in_specs=[
        pl.BlockSpec((1, _NH, _LB, 384), lambda n, j: (n, 0, j, 0)),
        pl.BlockSpec((1, _CH, _LB), lambda n, j: (n, 0, j)),
    ],
    out_specs=pl.BlockSpec((1, _CH, _LB), lambda n, j: (n, 0, j)),
    out_shape=jax.ShapeDtypeStruct((_N, _CH, _L), _f32),
)


def kernel(x, rotations, W1, b1, W2, b2):
    xf = jnp.reshape(x, (_N, _L, _CH))
    w1r = jnp.reshape(W1, (9, _CH, _C))
    w2r = jnp.reshape(W2, (9, _CH, _CH))
    c1, c2 = _conv(xf, w1r, w2r, jnp.reshape(b1, (1, _C)),
                   jnp.reshape(b2, (1, _CH)))
    x2 = jnp.transpose(jnp.reshape(c1, (_N, _C, _L)), (0, 2, 1))
    y2 = jnp.transpose(jnp.reshape(c2, (_N, _CH, _L)), (0, 2, 1))
    rot2 = jnp.reshape(rotations, (_C, _NH * 8))
    posg = _hashpos(x2, rot2)
    idx = jnp.reshape(posg, (_ROWS,))
    x2p = jnp.pad(x2, ((0, 0), (0, 0), (0, 128 - _C)))
    xs, ys = _sc_scatter(jnp.reshape(x2p, (_N * _L, 128)),
                         jnp.reshape(y2, (_N * _L, _CH)), idx)
    ra = _att(xs, ys)
    g = _sc_gather(ra, idx)
    gg = jnp.reshape(g, (_N, _NH, _L, 384))
    xr = jnp.reshape(x, (_N, _CH, _L))
    outf = _combine(gg, xr)
    return jnp.reshape(outf, (_N, _H, _W, _CH))

# --- scband reference (transcript-rebuilt; emitter-appended) ---
"""Pipeline reference for scband-non-local-sparse-attention-70282844831833 (READ-ONLY COPY).

The authoritative reference and input builder live on the scoring server;
editing this copy changes nothing except your own understanding.
"""

import jax, jax.numpy as jnp
import numpy as np

N = 4; H = 48; W = 48; CH = 256; RED = 4; C = CH // RED
NH = 4; CHUNK = 144; L = H * W; RES = 0.1
HB = min(L // CHUNK + (L // CHUNK) % 2, 128)


def conv2d_same(x, w, b):
    out = jax.lax.conv_general_dilated(
        x, w, window_strides=(1, 1), padding='SAME',
        dimension_numbers=('NHWC', 'HWIO', 'NHWC'))
    return out + b


def add_adjacent_buckets(t):
    back = jnp.concatenate([t[:, :, -1:, ...], t[:, :, :-1, ...]], axis=2)
    fwd = jnp.concatenate([t[:, :, 1:, ...], t[:, :, :1, ...]], axis=2)
    return jnp.concatenate([t, back, fwd], axis=3)


def setup_inputs(seed: int = 0) -> dict:
    key = jax.random.key(seed)
    k = jax.random.split(key, 6)
    return {
        'x': jax.random.normal(k[0], (N, H, W, CH), dtype=jnp.float32),
        'rotations': jax.random.normal(k[1], (1, C, NH, HB // 2), dtype=jnp.float32),
        'W1': jax.random.normal(k[2], (3, 3, CH, C), dtype=jnp.float32) * 0.05,
        'b1': jnp.zeros((C,), dtype=jnp.float32),
        'W2': jax.random.normal(k[3], (3, 3, CH, CH), dtype=jnp.float32) * 0.05,
        'b2': jnp.zeros((CH,), dtype=jnp.float32),
    }


def reference(x, rotations, W1, b1, W2, b2):
    # conv_match / conv_assembly
    x_embed = conv2d_same(x, W1, b1)                      # (N,H,W,C)
    x_embed = jnp.reshape(x_embed, (N, -1, H * W))        # faithful TF reshape (row-major reinterpret)
    x_embed = jnp.transpose(x_embed, (0, 2, 1))           # (N, L, C)
    y_embed = conv2d_same(x, W2, b2)                      # (N,H,W,CH)
    y_embed = jnp.reshape(y_embed, (N, -1, H * W))
    y_embed = jnp.transpose(y_embed, (0, 2, 1))           # (N, L, CH)

    # LSH hashing
    rot = jnp.tile(rotations, (N, 1, 1, 1))               # (N, C, NH, HB//2)
    rotated = jnp.einsum('btf,bfhi->bhti', x_embed, rot)
    rotated = jnp.concatenate([rotated, -rotated], axis=-1)
    hash_codes = jnp.argmax(rotated, axis=-1).astype(jnp.int32)   # (N, NH, L)
    offsets = (jnp.arange(NH, dtype=jnp.int32) * HB).reshape(1, -1, 1)
    hash_codes = jnp.reshape(hash_codes + offsets, (N, -1))       # (N, NH*L)
    hash_codes = jax.lax.stop_gradient(hash_codes)

    indices = jnp.argsort(hash_codes, axis=-1)
    undo_sort = jnp.argsort(indices, axis=-1)
    mod_indices = indices % L

    x_sorted = jnp.take_along_axis(x_embed, mod_indices[:, :, None], axis=1)  # (N, NH*L, C)
    y_sorted = jnp.take_along_axis(y_embed, mod_indices[:, :, None], axis=1)  # (N, NH*L, CH)

    padding = CHUNK - L % CHUNK if L % CHUNK != 0 else 0
    x_att = jnp.reshape(x_sorted, (N, NH, -1, C))
    y_att = jnp.reshape(y_sorted, (N, NH, -1, CH))
    if padding:
        x_att = jnp.concatenate([x_att, x_att[:, :, -padding:, ...]], axis=2)
        y_att = jnp.concatenate([y_att, y_att[:, :, -padding:, ...]], axis=2)
    x_att = jnp.reshape(x_att, (N, NH, -1, CHUNK, C))
    y_att = jnp.reshape(y_att, (N, NH, -1, CHUNK, CH))

    # tf.math.l2_normalize with epsilon=5e-05
    sq = jnp.sum(jnp.square(x_att), axis=-1, keepdims=True)
    x_match = x_att * jax.lax.rsqrt(jnp.maximum(sq, 5e-05))
    x_match = add_adjacent_buckets(x_match)               # (N,NH,K,3*CHUNK,C)
    y_att3 = add_adjacent_buckets(y_att)                  # (N,NH,K,3*CHUNK,CH)

    raw_score = jnp.einsum('bhkie,bhkje->bhkij', x_att, x_match)
    bucket_score = jax.scipy.special.logsumexp(raw_score, axis=-1, keepdims=True)
    score = jnp.exp(raw_score - bucket_score)
    bucket_score = jnp.reshape(bucket_score, (N, NH, -1))

    ret = jnp.einsum('bukij,bukje->bukie', score, y_att3)  # (N,NH,K,CHUNK,CH)
    ret = jnp.reshape(ret, (N, NH, -1, CH))
    if padding:
        ret = ret[:, :, :-padding, :]
        bucket_score = bucket_score[:, :, :-padding]
    ret = jnp.reshape(ret, (N, -1, CH))                    # (N, NH*L, CH)
    bucket_score = jnp.reshape(bucket_score, (N, -1))      # (N, NH*L)

    ret = jnp.take_along_axis(ret, undo_sort[:, :, None], axis=1)
    bucket_score = jnp.take_along_axis(bucket_score, undo_sort, axis=1)

    ret = jnp.reshape(ret, (N, NH, L, CH))
    bucket_score = jnp.reshape(bucket_score, (N, NH, L, 1))
    probs = jax.nn.softmax(bucket_score, axis=1)
    ret = jnp.sum(ret * probs, axis=1)                     # (N, L, CH)
    ret = jnp.transpose(ret, (0, 2, 1))                    # (N, CH, L)
    ret = jnp.reshape(ret, (N, H, W, -1)) * RES + x
    return ret


if False:  # reference __main__ guard neutralized (emitter)
    out = reference(**setup_inputs())
    print(out.shape, out.dtype)

if __name__ == "__main__":
    import jax
    _d = setup_inputs()
    print(jax.jit(kernel)(*tuple(_d.values())))

</pallas_src>

<mosaic_0001>
#map = affine_map<(d0, d1) -> (0, 0)>
#map1 = affine_map<(d0, d1) -> (0)>
module attributes {stable_mosaic.version = 14 : i64} {
  func.func @k(%arg0: i32, %arg1: i32, %arg2: memref<9216x128xf32, #tpu.memory_space<hbm>>, %arg3: memref<9216x256xf32, #tpu.memory_space<hbm>>, %arg4: memref<36864xi32, #tpu.memory_space<hbm>>, %arg5: memref<36864x128xf32, #tpu.memory_space<hbm>>, %arg6: memref<36864x256xf32, #tpu.memory_space<hbm>>, %arg7: memref<128xi32, #tpu.memory_space<vmem>>, %arg8: memref<128x128xf32, #tpu.memory_space<vmem>>, %arg9: memref<128x256xf32, #tpu.memory_space<vmem>>, %arg10: memref<!tpu.dma_semaphore, #tpu.memory_space<semaphore_mem>>, %arg11: memref<!tpu.dma_semaphore, #tpu.memory_space<semaphore_mem>>) attributes {dimension_semantics = [#tpu.dimension_semantics<core_parallel>, #tpu.dimension_semantics<subcore_parallel>], iteration_bounds = array<i64: 2, 16>, scalar_prefetch = 0 : i64, scratch_operands = 5 : i64, tpu.core_type = #tpu.core_type<sc_vector_subcore>, window_params = [{transform_indices = #map}, {transform_indices = #map}, {transform_indices = #map1}, {transform_indices = #map}, {transform_indices = #map}]} {
    %mul3A = arith.constant 2 : i32
    %mul3A_0 = arith.muli %arg1, %mul3A : i32
    %add3A = arith.addi %mul3A_0, %arg0 : i32
    %scan3A = arith.constant 0 : i32
    %scan3A_1 = arith.constant 9 : i32
    %scan3A_2 = arith.addi %scan3A, %scan3A_1 : i32
    %scan3A_3 = arith.constant 1 : i32
    scf.for %scan3A_5 = %scan3A to %scan3A_2 step %scan3A_3  : i32 {
      %mul3A_6 = arith.constant 1 : i32
      %mul3A_7 = arith.muli %scan3A_5, %mul3A_6 : i32
      %add3A_8 = arith.constant 0 : i32
      %add3A_9 = arith.addi %add3A_8, %mul3A_7 : i32
      %mul3A_10 = arith.constant 1152 : i32
      %mul3A_11 = arith.muli %add3A, %mul3A_10 : i32
      %mul3A_12 = arith.constant 128 : i32
      %mul3A_13 = arith.muli %add3A_9, %mul3A_12 : i32
      %add3A_14 = arith.addi %mul3A_11, %mul3A_13 : i32
      %jit3A = arith.constant 9216 : i32
      %div3A = arith.divsi %add3A_14, %jit3A : i32
      %sign3A = arith.constant 0 : i32
      %sign3A_15 = arith.cmpi sgt, %add3A_14, %sign3A : i32
      %sign3A_16 = arith.extui %sign3A_15 : i1 to i32
      %sign3A_17 = arith.constant 0 : i32
      %sign3A_18 = arith.cmpi slt, %add3A_14, %sign3A_17 : i32
      %sign3A_19 = arith.extui %sign3A_18 : i1 to i32
      %sign3A_20 = arith.subi %sign3A_16, %sign3A_19 : i32
      %sign3A_21 = arith.constant 0 : i32
      %sign3A_22 = arith.cmpi sgt, %jit3A, %sign3A_21 : i32
      %sign3A_23 = arith.extui %sign3A_22 : i1 to i32
      %sign3A_24 = arith.constant 0 : i32
      %sign3A_25 = arith.cmpi slt, %jit3A, %sign3A_24 : i32
      %sign3A_26 = arith.extui %sign3A_25 : i1 to i32
      %sign3A_27 = arith.subi %sign3A_23, %sign3A_26 : i32
      %ne3A = arith.cmpi ne, %sign3A_20, %sign3A_27 : i32
      %rem3A = arith.remsi %add3A_14, %jit3A : i32
      %ne3A_28 = arith.constant 0 : i32
      %ne3A_29 = arith.cmpi ne, %rem3A, %ne3A_28 : i32
      %and3A = arith.andi %ne3A, %ne3A_29 : i1
      %sub3A = arith.constant 1 : i32
      %sub3A_30 = arith.subi %div3A, %sub3A : i32
      %select_n3A = arith.select %and3A, %sub3A_30, %div3A : i32
      %jit3A_31 = arith.constant 2304 : i32
      %eq3A = arith.constant 0 : i32
      %eq3A_32 = arith.cmpi eq, %jit3A_31, %eq3A : i32
      %jit3A_33 = arith.constant 1 : i32
      %select_n3A_34 = arith.select %eq3A_32, %jit3A_33, %jit3A_31 : i32
      %rem3A_35 = arith.remsi %add3A_14, %select_n3A_34 : i32
      %ne3A_36 = arith.constant 0 : i32
      %ne3A_37 = arith.cmpi ne, %rem3A_35, %ne3A_36 : i32
      %lt3A = arith.constant 0 : i32
      %lt3A_38 = arith.cmpi slt, %rem3A_35, %lt3A : i32
      %lt3A_39 = arith.constant 0 : i32
      %lt3A_40 = arith.cmpi slt, %select_n3A_34, %lt3A_39 : i32
      %ne3A_41 = arith.xori %lt3A_38, %lt3A_40 : i1
      %and3A_42 = arith.andi %ne3A_41, %ne3A_37 : i1
      %add3A_43 = arith.addi %rem3A_35, %select_n3A_34 : i32
      %select_n3A_44 = arith.select %and3A_42, %add3A_43, %rem3A_35 : i32
      %mul3A_45 = arith.constant 2304 : i32
      %mul3A_46 = arith.muli %select_n3A, %mul3A_45 : i32
      %add3A_47 = arith.addi %mul3A_46, %select_n3A_44 : i32
      "tpu.region"() ({
        %run_scoped3A = tpu.sem_alloc : memref<!tpu.dma_semaphore, #tpu.memory_space<semaphore_mem>>
        %dma_start3A_58 = tpu.memref_slice %arg4[%add3A_14] : memref<36864xi32, #tpu.memory_space<hbm>> -> memref<128xi32, #tpu.memory_space<hbm>>
        %dma_start3A_59 = tpu.memref_slice %arg4[%add3A_14] : memref<36864xi32, #tpu.memory_space<hbm>> -> memref<128xi32, #tpu.memory_space<hbm>>
        tpu.enqueue_dma source(%dma_start3A_59 : memref<128xi32, #tpu.memory_space<hbm>>) target(%arg7 : memref<128xi32, #tpu.memory_space<vmem>>) target_semaphore(%run_scoped3A : memref<!tpu.dma_semaphore, #tpu.memory_space<semaphore_mem>>)
        %dma_wait3A_60 = tpu.memref_slice %arg4[%add3A_14] : memref<36864xi32, #tpu.memory_space<hbm>> -> memref<128xi32, #tpu.memory_space<hbm>>
        %dma_wait3A_61 = tpu.memref_slice %arg4[%add3A_14] : memref<36864xi32, #tpu.memory_space<hbm>> -> memref<128xi32, #tpu.memory_space<hbm>>
        tpu.wait_dma2 semaphore(%run_scoped3A : memref<!tpu.dma_semaphore, #tpu.memory_space<semaphore_mem>>) src(%dma_wait3A_61 : memref<128xi32, #tpu.memory_space<hbm>>) dst(%arg7 : memref<128xi32, #tpu.memory_space<vmem>>)
        tpu.yield
      }) : () -> ()
      "tpu.region"() ({
        %run_scoped3A = tpu.sem_alloc : memref<!tpu.dma_semaphore, #tpu.memory_space<semaphore_mem>>
        %dma_start3A_58 = arith.constant 0 : i32
        %dma_start3A_59 = tpu.memref_slice %arg2[%add3A_47, %dma_start3A_58] : memref<9216x128xf32, #tpu.memory_space<hbm>> -> memref<128x128xf32, #tpu.memory_space<hbm>>
        %dma_start3A_60 = arith.constant 0 : i32
        %dma_start3A_61 = tpu.memref_slice %arg2[%add3A_47, %dma_start3A_60] : memref<9216x128xf32, #tpu.memory_space<hbm>> -> memref<128x128xf32, #tpu.memory_space<hbm>>
        tpu.enqueue_dma source(%dma_start3A_61 : memref<128x128xf32, #tpu.memory_space<hbm>>) target(%arg8 : memref<128x128xf32, #tpu.memory_space<vmem>>) target_semaphore(%run_scoped3A : memref<!tpu.dma_semaphore, #tpu.memory_space<semaphore_mem>>)
        %dma_wait3A_62 = arith.constant 0 : i32
        %dma_wait3A_63 = tpu.memref_slice %arg2[%add3A_47, %dma_wait3A_62] : memref<9216x128xf32, #tpu.memory_space<hbm>> -> memref<128x128xf32, #tpu.memory_space<hbm>>
        %dma_wait3A_64 = arith.constant 0 : i32
        %dma_wait3A_65 = tpu.memref_slice %arg2[%add3A_47, %dma_wait3A_64] : memref<9216x128xf32, #tpu.memory_space<hbm>> -> memref<128x128xf32, #tpu.memory_space<hbm>>
        tpu.wait_dma2 semaphore(%run_scoped3A : memref<!tpu.dma_semaphore, #tpu.memory_space<semaphore_mem>>) src(%dma_wait3A_65 : memref<128x128xf32, #tpu.memory_space<hbm>>) dst(%arg8 : memref<128x128xf32, #tpu.memory_space<vmem>>)
        tpu.yield
      }) : () -> ()
      "tpu.region"() ({
        %run_scoped3A = tpu.sem_alloc : memref<!tpu.dma_semaphore, #tpu.memory_space<semaphore_mem>>
        %dma_start3A_58 = arith.constant 0 : i32
        %dma_start3A_59 = tpu.memref_slice %arg3[%add3A_47, %dma_start3A_58] : memref<9216x256xf32, #tpu.memory_space<hbm>> -> memref<128x256xf32, #tpu.memory_space<hbm>>
        %dma_start3A_60 = arith.constant 0 : i32
        %dma_start3A_61 = tpu.memref_slice %arg3[%add3A_47, %dma_start3A_60] : memref<9216x256xf32, #tpu.memory_space<hbm>> -> memref<128x256xf32, #tpu.memory_space<hbm>>
        tpu.enqueue_dma source(%dma_start3A_61 : memref<128x256xf32, #tpu.memory_space<hbm>>) target(%arg9 : memref<128x256xf32, #tpu.memory_space<vmem>>) target_semaphore(%run_scoped3A : memref<!tpu.dma_semaphore, #tpu.memory_space<semaphore_mem>>)
        %dma_wait3A_62 = arith.constant 0 : i32
        %dma_wait3A_63 = tpu.memref_slice %arg3[%add3A_47, %dma_wait3A_62] : memref<9216x256xf32, #tpu.memory_space<hbm>> -> memref<128x256xf32, #tpu.memory_space<hbm>>
        %dma_wait3A_64 = arith.constant 0 : i32
        %dma_wait3A_65 = tpu.memref_slice %arg3[%add3A_47, %dma_wait3A_64] : memref<9216x256xf32, #tpu.memory_space<hbm>> -> memref<128x256xf32, #tpu.memory_space<hbm>>
        tpu.wait_dma2 semaphore(%run_scoped3A : memref<!tpu.dma_semaphore, #tpu.memory_space<semaphore_mem>>) src(%dma_wait3A_65 : memref<128x256xf32, #tpu.memory_space<hbm>>) dst(%arg9 : memref<128x256xf32, #tpu.memory_space<vmem>>)
        tpu.yield
      }) : () -> ()
      %dma_start3A = arith.constant 0 : i32
      %dma_start3A_48 = arith.constant 0 : i32
      %dma_start3A_49 = tpu.memref_slice %arg5[%dma_start3A, %dma_start3A_48] : memref<36864x128xf32, #tpu.memory_space<hbm>> -> memref<36864x128xf32, #tpu.memory_space<hbm>>
      tpu.enqueue_indirect_dma source(%arg8 : memref<128x128xf32, #tpu.memory_space<vmem>>) target(%dma_start3A_49 : memref<36864x128xf32, #tpu.memory_space<hbm>>) offsets(%arg7 : memref<128xi32, #tpu.memory_space<vmem>>) semaphore(%arg10 : memref<!tpu.dma_semaphore, #tpu.memory_space<semaphore_mem>>)
      %dma_start3A_50 = arith.constant 0 : i32
      %dma_start3A_51 = arith.constant 0 : i32
      %dma_start3A_52 = tpu.memref_slice %arg6[%dma_start3A_50, %dma_start3A_51] : memref<36864x256xf32, #tpu.memory_space<hbm>> -> memref<36864x256xf32, #tpu.memory_space<hbm>>
      tpu.enqueue_indirect_dma source(%arg9 : memref<128x256xf32, #tpu.memory_space<vmem>>) target(%dma_start3A_52 : memref<36864x256xf32, #tpu.memory_space<hbm>>) offsets(%arg7 : memref<128xi32, #tpu.memory_space<vmem>>) semaphore(%arg11 : memref<!tpu.dma_semaphore, #tpu.memory_space<semaphore_mem>>)
      %dma_wait3A = arith.constant 0 : i32
      %dma_wait3A_53 = arith.constant 0 : i32
      %dma_wait3A_54 = tpu.memref_slice %arg5[%dma_wait3A, %dma_wait3A_53] : memref<36864x128xf32, #tpu.memory_space<hbm>> -> memref<36864x128xf32, #tpu.memory_space<hbm>>
      tpu.wait_indirect_dma semaphore(%arg10 : memref<!tpu.dma_semaphore, #tpu.memory_space<semaphore_mem>>) src(%arg8 : memref<128x128xf32, #tpu.memory_space<vmem>>) dst(%dma_wait3A_54 : memref<36864x128xf32, #tpu.memory_space<hbm>>)
      %dma_wait3A_55 = arith.constant 0 : i32
      %dma_wait3A_56 = arith.constant 0 : i32
      %dma_wait3A_57 = tpu.memref_slice %arg6[%dma_wait3A_55, %dma_wait3A_56] : memref<36864x256xf32, #tpu.memory_space<hbm>> -> memref<36864x256xf32, #tpu.memory_space<hbm>>
      tpu.wait_indirect_dma semaphore(%arg11 : memref<!tpu.dma_semaphore, #tpu.memory_space<semaphore_mem>>) src(%arg9 : memref<128x256xf32, #tpu.memory_space<vmem>>) dst(%dma_wait3A_57 : memref<36864x256xf32, #tpu.memory_space<hbm>>)
    }
    %scan3A_4 = arith.constant 9 : i32
    return
  }
}

#map = affine_map<(d0, d1) -> (0, 0)>
#map1 = affine_map<(d0, d1) -> (0)>
module attributes {stable_mosaic.version = 14 : i64} {
  func.func @k(%arg0: i32, %arg1: i32, %arg2: memref<36864x384xf32, #tpu.memory_space<hbm>>, %arg3: memref<36864xi32, #tpu.memory_space<hbm>>, %arg4: memref<36864x384xf32, #tpu.memory_space<hbm>>, %arg5: memref<128xi32, #tpu.memory_space<vmem>>, %arg6: memref<128x384xf32, #tpu.memory_space<vmem>>, %arg7: memref<!tpu.dma_semaphore, #tpu.memory_space<semaphore_mem>>) attributes {dimension_semantics = [#tpu.dimension_semantics<core_parallel>, #tpu.dimension_semantics<subcore_parallel>], iteration_bounds = array<i64: 2, 16>, scalar_prefetch = 0 : i64, scratch_operands = 3 : i64, tpu.core_type = #tpu.core_type<sc_vector_subcore>, window_params = [{transform_indices = #map}, {transform_indices = #map1}, {transform_indices = #map}]} {
    %mul3A = arith.constant 2 : i32
    %mul3A_0 = arith.muli %arg1, %mul3A : i32
    %add3A = arith.addi %mul3A_0, %arg0 : i32
    %scan3A = arith.constant 0 : i32
    %scan3A_1 = arith.constant 9 : i32
    %scan3A_2 = arith.addi %scan3A, %scan3A_1 : i32
    %scan3A_3 = arith.constant 1 : i32
    scf.for %scan3A_5 = %scan3A to %scan3A_2 step %scan3A_3  : i32 {
      %mul3A_6 = arith.constant 1 : i32
      %mul3A_7 = arith.muli %scan3A_5, %mul3A_6 : i32
      %add3A_8 = arith.constant 0 : i32
      %add3A_9 = arith.addi %add3A_8, %mul3A_7 : i32
      %mul3A_10 = arith.constant 1152 : i32
      %mul3A_11 = arith.muli %add3A, %mul3A_10 : i32
      %mul3A_12 = arith.constant 128 : i32
      %mul3A_13 = arith.muli %add3A_9, %mul3A_12 : i32
      %add3A_14 = arith.addi %mul3A_11, %mul3A_13 : i32
      "tpu.region"() ({
        %run_scoped3A = tpu.sem_alloc : memref<!tpu.dma_semaphore, #tpu.memory_space<semaphore_mem>>
        %dma_start3A_19 = tpu.memref_slice %arg3[%add3A_14] : memref<36864xi32, #tpu.memory_space<hbm>> -> memref<128xi32, #tpu.memory_space<hbm>>
        %dma_start3A_20 = tpu.memref_slice %arg3[%add3A_14] : memref<36864xi32, #tpu.memory_space<hbm>> -> memref<128xi32, #tpu.memory_space<hbm>>
        tpu.enqueue_dma source(%dma_start3A_20 : memref<128xi32, #tpu.memory_space<hbm>>) target(%arg5 : memref<128xi32, #tpu.memory_space<vmem>>) target_semaphore(%run_scoped3A : memref<!tpu.dma_semaphore, #tpu.memory_space<semaphore_mem>>)
        %dma_wait3A_21 = tpu.memref_slice %arg3[%add3A_14] : memref<36864xi32, #tpu.memory_space<hbm>> -> memref<128xi32, #tpu.memory_space<hbm>>
        %dma_wait3A_22 = tpu.memref_slice %arg3[%add3A_14] : memref<36864xi32, #tpu.memory_space<hbm>> -> memref<128xi32, #tpu.memory_space<hbm>>
        tpu.wait_dma2 semaphore(%run_scoped3A : memref<!tpu.dma_semaphore, #tpu.memory_space<semaphore_mem>>) src(%dma_wait3A_22 : memref<128xi32, #tpu.memory_space<hbm>>) dst(%arg5 : memref<128xi32, #tpu.memory_space<vmem>>)
        tpu.yield
      }) : () -> ()
      %dma_start3A = arith.constant 0 : i32
      %dma_start3A_15 = arith.constant 0 : i32
      %dma_start3A_16 = tpu.memref_slice %arg2[%dma_start3A, %dma_start3A_15] : memref<36864x384xf32, #tpu.memory_space<hbm>> -> memref<36864x384xf32, #tpu.memory_space<hbm>>
      tpu.enqueue_indirect_dma source(%dma_start3A_16 : memref<36864x384xf32, #tpu.memory_space<hbm>>) target(%arg6 : memref<128x384xf32, #tpu.memory_space<vmem>>) offsets(%arg5 : memref<128xi32, #tpu.memory_space<vmem>>) semaphore(%arg7 : memref<!tpu.dma_semaphore, #tpu.memory_space<semaphore_mem>>)
      %dma_wait3A = arith.constant 0 : i32
      %dma_wait3A_17 = arith.constant 0 : i32
      %dma_wait3A_18 = tpu.memref_slice %arg2[%dma_wait3A, %dma_wait3A_17] : memref<36864x384xf32, #tpu.memory_space<hbm>> -> memref<36864x384xf32, #tpu.memory_space<hbm>>
      tpu.wait_indirect_dma semaphore(%arg7 : memref<!tpu.dma_semaphore, #tpu.memory_space<semaphore_mem>>) src(%dma_wait3A_18 : memref<36864x384xf32, #tpu.memory_space<hbm>>) dst(%arg6 : memref<128x384xf32, #tpu.memory_space<vmem>>)
      "tpu.region"() ({
        %run_scoped3A = tpu.sem_alloc : memref<!tpu.dma_semaphore, #tpu.memory_space<semaphore_mem>>
        %dma_start3A_19 = arith.constant 0 : i32
        %dma_start3A_20 = tpu.memref_slice %arg4[%add3A_14, %dma_start3A_19] : memref<36864x384xf32, #tpu.memory_space<hbm>> -> memref<128x384xf32, #tpu.memory_space<hbm>>
        %dma_start3A_21 = arith.constant 0 : i32
        %dma_start3A_22 = tpu.memref_slice %arg4[%add3A_14, %dma_start3A_21] : memref<36864x384xf32, #tpu.memory_space<hbm>> -> memref<128x384xf32, #tpu.memory_space<hbm>>
        tpu.enqueue_dma source(%arg6 : memref<128x384xf32, #tpu.memory_space<vmem>>) target(%dma_start3A_22 : memref<128x384xf32, #tpu.memory_space<hbm>>) target_semaphore(%run_scoped3A : memref<!tpu.dma_semaphore, #tpu.memory_space<semaphore_mem>>)
        %dma_wait3A_23 = arith.constant 0 : i32
        %dma_wait3A_24 = tpu.memref_slice %arg4[%add3A_14, %dma_wait3A_23] : memref<36864x384xf32, #tpu.memory_space<hbm>> -> memref<128x384xf32, #tpu.memory_space<hbm>>
        %dma_wait3A_25 = arith.constant 0 : i32
        %dma_wait3A_26 = tpu.memref_slice %arg4[%add3A_14, %dma_wait3A_25] : memref<36864x384xf32, #tpu.memory_space<hbm>> -> memref<128x384xf32, #tpu.memory_space<hbm>>
        tpu.wait_dma2 semaphore(%run_scoped3A : memref<!tpu.dma_semaphore, #tpu.memory_space<semaphore_mem>>) src(%arg6 : memref<128x384xf32, #tpu.memory_space<vmem>>) dst(%dma_wait3A_26 : memref<128x384xf32, #tpu.memory_space<hbm>>)
        tpu.yield
      }) : () -> ()
    }
    %scan3A_4 = arith.constant 9 : i32
    return
  }
}

module attributes {stable_mosaic.version = 14 : i64} {
  func.func @_conv_body(%arg0: i32, %arg1: memref<1x2304x256xf32, #tpu.memory_space<vmem>>, %arg2: memref<9x256x64xf32, #tpu.memory_space<vmem>>, %arg3: memref<9x256x256xf32, #tpu.memory_space<vmem>>, %arg4: memref<1x64xf32, #tpu.memory_space<vmem>>, %arg5: memref<1x256xf32, #tpu.memory_space<vmem>>, %arg6: memref<1x2304x64xf32, #tpu.memory_space<vmem>>, %arg7: memref<1x2304x256xf32, #tpu.memory_space<vmem>>, %arg8: memref<2416x256xf32, #tpu.memory_space<vmem>>) attributes {dimension_semantics = [#tpu.dimension_semantics<arbitrary>], iteration_bounds = array<i64: 4>, scalar_prefetch = 0 : i64, scratch_operands = 1 : i64, tpu.core_type = #tpu.core_type<tc>, window_params = [{transform_indices = @transform_0, window_bounds = array<i64: 1, 2304, 256>}, {pipeline_mode = #tpu.pipeline_mode<synchronous>, transform_indices = @transform_1, window_bounds = array<i64: 9, 256, 64>}, {pipeline_mode = #tpu.pipeline_mode<synchronous>, transform_indices = @transform_2, window_bounds = array<i64: 9, 256, 256>}, {pipeline_mode = #tpu.pipeline_mode<synchronous>, transform_indices = @transform_3, window_bounds = array<i64: 1, 64>}, {pipeline_mode = #tpu.pipeline_mode<synchronous>, transform_indices = @transform_4, window_bounds = array<i64: 1, 256>}, {transform_indices = @transform_5, window_bounds = array<i64: 1, 2304, 64>}, {transform_indices = @transform_6, window_bounds = array<i64: 1, 2304, 256>}]} {
    %broadcast_in_dim3A = arith.constant 0.000000e+00 : f32
    %broadcast_in_dim3A_0 = vector.broadcast %broadcast_in_dim3A : f32 to vector<56x256xf32>
    %swap3A = arith.constant 0 : index
    %swap3A_1 = arith.constant 0 : index
    %swap3A_2 = vector.load %arg8[%swap3A, %swap3A_1] : memref<2416x256xf32, #tpu.memory_space<vmem>>, vector<56x256xf32>
    tpu.vector_store %arg8[%swap3A, %swap3A_1], %broadcast_in_dim3A_0 {strides = array<i32>} : memref<2416x256xf32, #tpu.memory_space<vmem>>, vector<56x256xf32>,
    %broadcast_in_dim3A_3 = arith.constant 0.000000e+00 : f32
    %broadcast_in_dim3A_4 = vector.broadcast %broadcast_in_dim3A_3 : f32 to vector<56x256xf32>
    %swap3A_5 = arith.constant 2360 : index
    %swap3A_6 = arith.constant 0 : index
    %swap3A_7 = vector.load %arg8[%swap3A_5, %swap3A_6] : memref<2416x256xf32, #tpu.memory_space<vmem>>, vector<56x256xf32>
    tpu.vector_store %arg8[%swap3A_5, %swap3A_6], %broadcast_in_dim3A_4 {strides = array<i32>} : memref<2416x256xf32, #tpu.memory_space<vmem>>, vector<56x256xf32>,
    %get3A = arith.constant 0 : index
    %get3A_8 = arith.constant 0 : index
    %get3A_9 = arith.constant 0 : index
    %get3A_10 = vector.load %arg1[%get3A, %get3A_8, %get3A_9] : memref<1x2304x256xf32, #tpu.memory_space<vmem>>, vector<1x2304x256xf32>
    %get3A_11 = vector.shape_cast %get3A_10 : vector<1x2304x256xf32> to vector<2304x256xf32>
    %swap3A_12 = arith.constant 56 : index
    %swap3A_13 = arith.constant 0 : index
    %swap3A_14 = vector.load %arg8[%swap3A_12, %swap3A_13] : memref<2416x256xf32, #tpu.memory_space<vmem>>, vector<2304x256xf32>
    tpu.vector_store %arg8[%swap3A_12, %swap3A_13], %get3A_11 {strides = array<i32>} : memref<2416x256xf32, #tpu.memory_space<vmem>>, vector<2304x256xf32>,
    %iota3A = tpu.iota {dimensions = array<i32: 0>} : vector<2304x1xi32>
    %jit3A = arith.constant 48 : i32
    %eq3A = arith.constant 0 : i32
    %eq3A_15 = arith.cmpi eq, %jit3A, %eq3A : i32
    %jit3A_16 = arith.constant 1 : i32
    %select_n3A = arith.select %eq3A_15, %jit3A_16, %jit3A : i32
    %rem3A = vector.broadcast %select_n3A : i32 to vector<2304x1xi32>
    %rem3A_17 = arith.remsi %iota3A, %rem3A : vector<2304x1xi32>
    %ne3A = arith.constant 0 : i32
    %ne3A_18 = vector.broadcast %ne3A : i32 to vector<2304x1xi32>
    %ne3A_19 = arith.cmpi ne, %rem3A_17, %ne3A_18 : vector<2304x1xi32>
    %lt3A = arith.constant 0 : i32
    %lt3A_20 = vector.broadcast %lt3A : i32 to vector<2304x1xi32>
    %lt3A_21 = arith.cmpi slt, %rem3A_17, %lt3A_20 : vector<2304x1xi32>
    %lt3A_22 = arith.constant 0 : i32
    %lt3A_23 = arith.cmpi slt, %select_n3A, %lt3A_22 : i32
    %ne3A_24 = vector.broadcast %lt3A_23 : i1 to vector<2304x1xi1>
    %ne3A_25 = vector.broadcast %ne3A_24 : vector<2304x1xi1> to vector<2304x1xi1>
    %ne3A_26 = arith.xori %lt3A_21, %ne3A_25 : vector<2304x1xi1>
    %and3A = arith.andi %ne3A_26, %ne3A_19 : vector<2304x1xi1>
    %add3A = vector.broadcast %select_n3A : i32 to vector<2304x1xi32>
    %add3A_27 = arith.addi %rem3A_17, %add3A : vector<2304x1xi32>
    %select_n3A_28 = arith.select %and3A, %add3A_27, %rem3A_17 : vector<2304x1xi1>, vector<2304x1xi32>
    %broadcast_in_dim3A_29 = arith.constant 0.000000e+00 : f32
    %broadcast_in_dim3A_30 = vector.broadcast %broadcast_in_dim3A_29 : f32 to vector<2304x64xf32>
    %broadcast_in_dim3A_31 = arith.constant 0.000000e+00 : f32
    %broadcast_in_dim3A_32 = vector.broadcast %broadcast_in_dim3A_31 : f32 to vector<2304x256xf32>
    %get3A_33 = arith.constant 7 : index
    %get3A_34 = arith.constant 0 : index
    %get3A_35 = vector.load %arg8[%get3A_33, %get3A_34] : memref<2416x256xf32, #tpu.memory_space<vmem>>, vector<2304x256xf32>
    %gt3A = arith.constant 0 : i32
    %gt3A_36 = vector.broadcast %gt3A : i32 to vector<2304x1xi32>
    %gt3A_37 = arith.cmpi sgt, %select_n3A_28, %gt3A_36 : vector<2304x1xi32>
    %jit3A_38 = arith.constant 0.000000e+00 : f32
    %broadcast_in_dim3A_39 = vector.shape_cast %gt3A_37 : vector<2304x1xi1> to vector<2304x1xi1>
    %broadcast_in_dim3A_40 = vector.broadcast %broadcast_in_dim3A_39 : vector<2304x1xi1> to vector<2304x256xi1>
    %broadcast_in_dim3A_41 = vector.broadcast %jit3A_38 : f32 to vector<2304x256xf32>
    %select_n3A_42 = arith.select %broadcast_in_dim3A_40, %get3A_35, %broadcast_in_dim3A_41 : vector<2304x256xi1>, vector<2304x256xf32>
    %get3A_43 = arith.constant 0 : index
    %get3A_44 = arith.constant 0 : index
    %get3A_45 = arith.constant 0 : index
    %get3A_46 = vector.load %arg2[%get3A_43, %get3A_44, %get3A_45] : memref<9x256x64xf32, #tpu.memory_space<vmem>>, vector<1x256x64xf32>
    %get3A_47 = vector.shape_cast %get3A_46 : vector<1x256x64xf32> to vector<256x64xf32>
    %dot_general3A = arith.constant dense<0.000000e+00> : vector<2304x64xf32>
    %dot_general3A_48 = tpu.matmul %select_n3A_42, %get3A_47, %dot_general3A {dimension_numbers = #tpu.dot_dimension_numbers<[1], [0], [0], [1], [0, 0, 1, 1], [], []>, transpose_lhs_hint = false} : vector<2304x256xf32>, vector<256x64xf32>, vector<2304x64xf32> -> vector<2304x64xf32>
    %add3A_49 = arith.addf %broadcast_in_dim3A_30, %dot_general3A_48 : vector<2304x64xf32>
    %convert_element_type3A = arith.truncf %select_n3A_42 : vector<2304x256xf32> to vector<2304x256xbf16>
    %get3A_50 = arith.constant 0 : index
    %get3A_51 = arith.constant 0 : index
    %get3A_52 = arith.constant 0 : index
    %get3A_53 = vector.load %arg3[%get3A_50, %get3A_51, %get3A_52] : memref<9x256x256xf32, #tpu.memory_space<vmem>>, vector<1x256x256xf32>
    %get3A_54 = vector.shape_cast %get3A_53 : vector<1x256x256xf32> to vector<256x256xf32>
    %convert_element_type3A_55 = arith.truncf %get3A_54 : vector<256x256xf32> to vector<256x256xbf16>
    %dot_general3A_56 = arith.constant dense<0.000000e+00> : vector<2304x256xf32>
    %dot_general3A_57 = tpu.matmul %convert_element_type3A, %convert_element_type3A_55, %dot_general3A_56 {dimension_numbers = #tpu.dot_dimension_numbers<[1], [0], [0], [1], [0, 0, 1, 1], [], []>, transpose_lhs_hint = false} : vector<2304x256xbf16>, vector<256x256xbf16>, vector<2304x256xf32> -> vector<2304x256xf32>
    %add3A_58 = arith.addf %broadcast_in_dim3A_32, %dot_general3A_57 : vector<2304x256xf32>
    %get3A_59 = arith.constant 8 : index
    %get3A_60 = arith.constant 0 : index
    %get3A_61 = vector.load %arg8[%get3A_59, %get3A_60] : memref<2416x256xf32, #tpu.memory_space<vmem>>, vector<2304x256xf32>
    %get3A_62 = arith.constant 1 : index
    %get3A_63 = arith.constant 0 : index
    %get3A_64 = arith.constant 0 : index
    %get3A_65 = vector.load %arg2[%get3A_62, %get3A_63, %get3A_64] : memref<9x256x64xf32, #tpu.memory_space<vmem>>, vector<1x256x64xf32>
    %get3A_66 = vector.shape_cast %get3A_65 : vector<1x256x64xf32> to vector<256x64xf32>
    %dot_general3A_67 = arith.constant dense<0.000000e+00> : vector<2304x64xf32>
    %dot_general3A_68 = tpu.matmul %get3A_61, %get3A_66, %dot_general3A_67 {dimension_numbers = #tpu.dot_dimension_numbers<[1], [0], [0], [1], [0, 0, 1, 1], [], []>, transpose_lhs_hint = false} : vector<2304x256xf32>, vector<256x64xf32>, vector<2304x64xf32> -> vector<2304x64xf32>
    %add3A_69 = arith.addf %add3A_49, %dot_general3A_68 : vector<2304x64xf32>
    %convert_element_type3A_70 = arith.truncf %get3A_61 : vector<2304x256xf32> to vector<2304x256xbf16>
    %get3A_71 = arith.constant 1 : index
    %get3A_72 = arith.constant 0 : index
    %get3A_73 = arith.constant 0 : index
    %get3A_74 = vector.load %arg3[%get3A_71, %get3A_72, %get3A_73] : memref<9x256x256xf32, #tpu.memory_space<vmem>>, vector<1x256x256xf32>
    %get3A_75 = vector.shape_cast %get3A_74 : vector<1x256x256xf32> to vector<256x256xf32>
    %convert_element_type3A_76 = arith.truncf %get3A_75 : vector<256x256xf32> to vector<256x256xbf16>
    %dot_general3A_77 = arith.constant dense<0.000000e+00> : vector<2304x256xf32>
    %dot_general3A_78 = tpu.matmul %convert_element_type3A_70, %convert_element_type3A_76, %dot_general3A_77 {dimension_numbers = #tpu.dot_dimension_numbers<[1], [0], [0], [1], [0, 0, 1, 1], [], []>, transpose_lhs_hint = false} : vector<2304x256xbf16>, vector<256x256xbf16>, vector<2304x256xf32> -> vector<2304x256xf32>
    %add3A_79 = arith.addf %add3A_58, %dot_general3A_78 : vector<2304x256xf32>
    %get3A_80 = arith.constant 9 : index
    %get3A_81 = arith.constant 0 : index
    %get3A_82 = vector.load %arg8[%get3A_80, %get3A_81] : memref<2416x256xf32, #tpu.memory_space<vmem>>, vector<2304x256xf32>
    %lt3A_83 = arith.constant 47 : i32
    %lt3A_84 = vector.broadcast %lt3A_83 : i32 to vector<2304x1xi32>
    %lt3A_85 = arith.cmpi slt, %select_n3A_28, %lt3A_84 : vector<2304x1xi32>
    %jit3A_86 = arith.constant 0.000000e+00 : f32
    %broadcast_in_dim3A_87 = vector.shape_cast %lt3A_85 : vector<2304x1xi1> to vector<2304x1xi1>
    %broadcast_in_dim3A_88 = vector.broadcast %broadcast_in_dim3A_87 : vector<2304x1xi1> to vector<2304x256xi1>
    %broadcast_in_dim3A_89 = vector.broadcast %jit3A_86 : f32 to vector<2304x256xf32>
    %select_n3A_90 = arith.select %broadcast_in_dim3A_88, %get3A_82, %broadcast_in_dim3A_89 : vector<2304x256xi1>, vector<2304x256xf32>
    %get3A_91 = arith.constant 2 : index
    %get3A_92 = arith.constant 0 : index
    %get3A_93 = arith.constant 0 : index
    %get3A_94 = vector.load %arg2[%get3A_91, %get3A_92, %get3A_93] : memref<9x256x64xf32, #tpu.memory_space<vmem>>, vector<1x256x64xf32>
    %get3A_95 = vector.shape_cast %get3A_94 : vector<1x256x64xf32> to vector<256x64xf32>
    %dot_general3A_96 = arith.constant dense<0.000000e+00> : vector<2304x64xf32>
    %dot_general3A_97 = tpu.matmul %select_n3A_90, %get3A_95, %dot_general3A_96 {dimension_numbers = #tpu.dot_dimension_numbers<[1], [0], [0], [1], [0, 0, 1, 1], [], []>, transpose_lhs_hint = false} : vector<2304x256xf32>, vector<256x64xf32>, vector<2304x64xf32> -> vector<2304x64xf32>
    %add3A_98 = arith.addf %add3A_69, %dot_general3A_97 : vector<2304x64xf32>
    %convert_element_type3A_99 = arith.truncf %select_n3A_90 : vector<2304x256xf32> to vector<2304x256xbf16>
    %get3A_100 = arith.constant 2 : index
    %get3A_101 = arith.constant 0 : index
    %get3A_102 = arith.constant 0 : index
    %get3A_103 = vector.load %arg3[%get3A_100, %get3A_101, %get3A_102] : memref<9x256x256xf32, #tpu.memory_space<vmem>>, vector<1x256x256xf32>
    %get3A_104 = vector.shape_cast %get3A_103 : vector<1x256x256xf32> to vector<256x256xf32>
    %convert_element_type3A_105 = arith.truncf %get3A_104 : vector<256x256xf32> to vector<256x256xbf16>
    %dot_general3A_106 = arith.constant dense<0.000000e+00> : vector<2304x256xf32>
    %dot_general3A_107 = tpu.matmul %convert_element_type3A_99, %convert_element_type3A_105, %dot_general3A_106 {dimension_numbers = #tpu.dot_dimension_numbers<[1], [0], [0], [1], [0, 0, 1, 1], [], []>, transpose_lhs_hint = false} : vector<2304x256xbf16>, vector<256x256xbf16>, vector<2304x256xf32> -> vector<2304x256xf32>
    %add3A_108 = arith.addf %add3A_79, %dot_general3A_107 : vector<2304x256xf32>
    %get3A_109 = arith.constant 55 : index
    %get3A_110 = arith.constant 0 : index
    %get3A_111 = vector.load %arg8[%get3A_109, %get3A_110] : memref<2416x256xf32, #tpu.memory_space<vmem>>, vector<2304x256xf32>
    %gt3A_112 = arith.constant 0 : i32
    %gt3A_113 = vector.broadcast %gt3A_112 : i32 to vector<2304x1xi32>
    %gt3A_114 = arith.cmpi sgt, %select_n3A_28, %gt3A_113 : vector<2304x1xi32>
    %jit3A_115 = arith.constant 0.000000e+00 : f32
    %broadcast_in_dim3A_116 = vector.shape_cast %gt3A_114 : vector<2304x1xi1> to vector<2304x1xi1>
    %broadcast_in_dim3A_117 = vector.broadcast %broadcast_in_dim3A_116 : vector<2304x1xi1> to vector<2304x256xi1>
    %broadcast_in_dim3A_118 = vector.broadcast %jit3A_115 : f32 to vector<2304x256xf32>
    %select_n3A_119 = arith.select %broadcast_in_dim3A_117, %get3A_111, %broadcast_in_dim3A_118 : vector<2304x256xi1>, vector<2304x256xf32>
    %get3A_120 = arith.constant 3 : index
    %get3A_121 = arith.constant 0 : index
    %get3A_122 = arith.constant 0 : index
    %get3A_123 = vector.load %arg2[%get3A_120, %get3A_121, %get3A_122] : memref<9x256x64xf32, #tpu.memory_space<vmem>>, vector<1x256x64xf32>
    %get3A_124 = vector.shape_cast %get3A_123 : vector<1x256x64xf32> to vector<256x64xf32>
    %dot_general3A_125 = arith.constant dense<0.000000e+00> : vector<2304x64xf32>
    %dot_general3A_126 = tpu.matmul %select_n3A_119, %get3A_124, %dot_general3A_125 {dimension_numbers = #tpu.dot_dimension_numbers<[1], [0], [0], [1], [0, 0, 1, 1], [], []>, transpose_lhs_hint = false} : vector<2304x256xf32>, vector<256x64xf32>, vector<2304x64xf32> -> vector<2304x64xf32>
    %add3A_127 = arith.addf %add3A_98, %dot_general3A_126 : vector<2304x64xf32>
    %convert_element_type3A_128 = arith.truncf %select_n3A_119 : vector<2304x256xf32> to vector<2304x256xbf16>
    %get3A_129 = arith.constant 3 : index
    %get3A_130 = arith.constant 0 : index
    %get3A_131 = arith.constant 0 : index
    %get3A_132 = vector.load %arg3[%get3A_129, %get3A_130, %get3A_131] : memref<9x256x256xf32, #tpu.memory_space<vmem>>, vector<1x256x256xf32>
    %get3A_133 = vector.shape_cast %get3A_132 : vector<1x256x256xf32> to vector<256x256xf32>
    %convert_element_type3A_134 = arith.truncf %get3A_133 : vector<256x256xf32> to vector<256x256xbf16>
    %dot_general3A_135 = arith.constant dense<0.000000e+00> : vector<2304x256xf32>
    %dot_general3A_136 = tpu.matmul %convert_element_type3A_128, %convert_element_type3A_134, %dot_general3A_135 {dimension_numbers = #tpu.dot_dimension_numbers<[1], [0], [0], [1], [0, 0, 1, 1], [], []>, transpose_lhs_hint = false} : vector<2304x256xbf16>, vector<256x256xbf16>, vector<2304x256xf32> -> vector<2304x256xf32>
    %add3A_137 = arith.addf %add3A_108, %dot_general3A_136 : vector<2304x256xf32>
    %get3A_138 = arith.constant 56 : index
    %get3A_139 = arith.constant 0 : index
    %get3A_140 = vector.load %arg8[%get3A_138, %get3A_139] : memref<2416x256xf32, #tpu.memory_space<vmem>>, vector<2304x256xf32>
    %get3A_141 = arith.constant 4 : index
    %get3A_142 = arith.constant 0 : index
    %get3A_143 = arith.constant 0 : index
    %get3A_144 = vector.load %arg2[%get3A_141, %get3A_142, %get3A_143] : memref<9x256x64xf32, #tpu.memory_space<vmem>>, vector<1x256x64xf32>
    %get3A_145 = vector.shape_cast %get3A_144 : vector<1x256x64xf32> to vector<256x64xf32>
    %dot_general3A_146 = arith.constant dense<0.000000e+00> : vector<2304x64xf32>
    %dot_general3A_147 = tpu.matmul %get3A_140, %get3A_145, %dot_general3A_146 {dimension_numbers = #tpu.dot_dimension_numbers<[1], [0], [0], [1], [0, 0, 1, 1], [], []>, transpose_lhs_hint = false} : vector<2304x256xf32>, vector<256x64xf32>, vector<2304x64xf32> -> vector<2304x64xf32>
    %add3A_148 = arith.addf %add3A_127, %dot_general3A_147 : vector<2304x64xf32>
    %convert_element_type3A_149 = arith.truncf %get3A_140 : vector<2304x256xf32> to vector<2304x256xbf16>
    %get3A_150 = arith.constant 4 : index
    %get3A_151 = arith.constant 0 : index
    %get3A_152 = arith.constant 0 : index
    %get3A_153 = vector.load %arg3[%get3A_150, %get3A_151, %get3A_152] : memref<9x256x256xf32, #tpu.memory_space<vmem>>, vector<1x256x256xf32>
    %get3A_154 = vector.shape_cast %get3A_153 : vector<1x256x256xf32> to vector<256x256xf32>
    %convert_element_type3A_155 = arith.truncf %get3A_154 : vector<256x256xf32> to vector<256x256xbf16>
    %dot_general3A_156 = arith.constant dense<0.000000e+00> : vector<2304x256xf32>
    %dot_general3A_157 = tpu.matmul %convert_element_type3A_149, %convert_element_type3A_155, %dot_general3A_156 {dimension_numbers = #tpu.dot_dimension_numbers<[1], [0], [0], [1], [0, 0, 1, 1], [], []>, transpose_lhs_hint = false} : vector<2304x256xbf16>, vector<256x256xbf16>, vector<2304x256xf32> -> vector<2304x256xf32>
    %add3A_158 = arith.addf %add3A_137, %dot_general3A_157 : vector<2304x256xf32>
    %get3A_159 = arith.constant 57 : index
    %get3A_160 = arith.constant 0 : index
    %get3A_161 = vector.load %arg8[%get3A_159, %get3A_160] : memref<2416x256xf32, #tpu.memory_space<vmem>>, vector<2304x256xf32>
    %lt3A_162 = arith.constant 47 : i32
    %lt3A_163 = vector.broadcast %lt3A_162 : i32 to vector<2304x1xi32>
    %lt3A_164 = arith.cmpi slt, %select_n3A_28, %lt3A_163 : vector<2304x1xi32>
    %jit3A_165 = arith.constant 0.000000e+00 : f32
    %broadcast_in_dim3A_166 = vector.shape_cast %lt3A_164 : vector<2304x1xi1> to vector<2304x1xi1>
    %broadcast_in_dim3A_167 = vector.broadcast %broadcast_in_dim3A_166 : vector<2304x1xi1> to vector<2304x256xi1>
    %broadcast_in_dim3A_168 = vector.broadcast %jit3A_165 : f32 to vector<2304x256xf32>
    %select_n3A_169 = arith.select %broadcast_in_dim3A_167, %get3A_161, %broadcast_in_dim3A_168 : vector<2304x256xi1>, vector<2304x256xf32>
    %get3A_170 = arith.constant 5 : index
    %get3A_171 = arith.constant 0 : index
    %get3A_172 = arith.constant 0 : index
    %get3A_173 = vector.load %arg2[%get3A_170, %get3A_171, %get3A_172] : memref<9x256x64xf32, #tpu.memory_space<vmem>>, vector<1x256x64xf32>
    %get3A_174 = vector.shape_cast %get3A_173 : vector<1x256x64xf32> to vector<256x64xf32>
    %dot_general3A_175 = arith.constant dense<0.000000e+00> : vector<2304x64xf32>
    %dot_general3A_176 = tpu.matmul %select_n3A_169, %get3A_174, %dot_general3A_175 {dimension_numbers = #tpu.dot_dimension_numbers<[1], [0], [0], [1], [0, 0, 1, 1], [], []>, transpose_lhs_hint = false} : vector<2304x256xf32>, vector<256x64xf32>, vector<2304x64xf32> -> vector<2304x64xf32>
    %add3A_177 = arith.addf %add3A_148, %dot_general3A_176 : vector<2304x64xf32>
    %convert_element_type3A_178 = arith.truncf %select_n3A_169 : vector<2304x256xf32> to vector<2304x256xbf16>
    %get3A_179 = arith.constant 5 : index
    %get3A_180 = arith.constant 0 : index
    %get3A_181 = arith.constant 0 : index
    %get3A_182 = vector.load %arg3[%get3A_179, %get3A_180, %get3A_181] : memref<9x256x256xf32, #tpu.memory_space<vmem>>, vector<1x256x256xf32>
    %get3A_183 = vector.shape_cast %get3A_182 : vector<1x256x256xf32> to vector<256x256xf32>
    %convert_element_type3A_184 = arith.truncf %get3A_183 : vector<256x256xf32> to vector<256x256xbf16>
    %dot_general3A_185 = arith.constant dense<0.000000e+00> : vector<2304x256xf32>
    %dot_general3A_186 = tpu.matmul %convert_element_type3A_178, %convert_element_type3A_184, %dot_general3A_185 {dimension_numbers = #tpu.dot_dimension_numbers<[1], [0], [0], [1], [0, 0, 1, 1], [], []>, transpose_lhs_hint = false} : vector<2304x256xbf16>, vector<256x256xbf16>, vector<2304x256xf32> -> vector<2304x256xf32>
    %add3A_187 = arith.addf %add3A_158, %dot_general3A_186 : vector<2304x256xf32>
    %get3A_188 = arith.constant 103 : index
    %get3A_189 = arith.constant 0 : index
    %get3A_190 = vector.load %arg8[%get3A_188, %get3A_189] : memref<2416x256xf32, #tpu.memory_space<vmem>>, vector<2304x256xf32>
    %gt3A_191 = arith.constant 0 : i32
    %gt3A_192 = vector.broadcast %gt3A_191 : i32 to vector<2304x1xi32>
    %gt3A_193 = arith.cmpi sgt, %select_n3A_28, %gt3A_192 : vector<2304x1xi32>
    %jit3A_194 = arith.constant 0.000000e+00 : f32
    %broadcast_in_dim3A_195 = vector.shape_cast %gt3A_193 : vector<2304x1xi1> to vector<2304x1xi1>
    %broadcast_in_dim3A_196 = vector.broadcast %broadcast_in_dim3A_195 : vector<2304x1xi1> to vector<2304x256xi1>
    %broadcast_in_dim3A_197 = vector.broadcast %jit3A_194 : f32 to vector<2304x256xf32>
    %select_n3A_198 = arith.select %broadcast_in_dim3A_196, %get3A_190, %broadcast_in_dim3A_197 : vector<2304x256xi1>, vector<2304x256xf32>
    %get3A_199 = arith.constant 6 : index
    %get3A_200 = arith.constant 0 : index
    %get3A_201 = arith.constant 0 : index
    %get3A_202 = vector.load %arg2[%get3A_199, %get3A_200, %get3A_201] : memref<9x256x64xf32, #tpu.memory_space<vmem>>, vector<1x256x64xf32>
    %get3A_203 = vector.shape_cast %get3A_202 : vector<1x256x64xf32> to vector<256x64xf32>
    %dot_general3A_204 = arith.constant dense<0.000000e+00> : vector<2304x64xf32>
    %dot_general3A_205 = tpu.matmul %select_n3A_198, %get3A_203, %dot_general3A_204 {dimension_numbers = #tpu.dot_dimension_numbers<[1], [0], [0], [1], [0, 0, 1, 1], [], []>, transpose_lhs_hint = false} : vector<2304x256xf32>, vector<256x64xf32>, vector<2304x64xf32> -> vector<2304x64xf32>
    %add3A_206 = arith.addf %add3A_177, %dot_general3A_205 : vector<2304x64xf32>
    %convert_element_type3A_207 = arith.truncf %select_n3A_198 : vector<2304x256xf32> to vector<2304x256xbf16>
    %get3A_208 = arith.constant 6 : index
    %get3A_209 = arith.constant 0 : index
    %get3A_210 = arith.constant 0 : index
    %get3A_211 = vector.load %arg3[%get3A_208, %get3A_209, %get3A_210] : memref<9x256x256xf32, #tpu.memory_space<vmem>>, vector<1x256x256xf32>
    %get3A_212 = vector.shape_cast %get3A_211 : vector<1x256x256xf32> to vector<256x256xf32>
    %convert_element_type3A_213 = arith.truncf %get3A_212 : vector<256x256xf32> to vector<256x256xbf16>
    %dot_general3A_214 = arith.constant dense<0.000000e+00> : vector<2304x256xf32>
    %dot_general3A_215 = tpu.matmul %convert_element_type3A_207, %convert_element_type3A_213, %dot_general3A_214 {dimension_numbers = #tpu.dot_dimension_numbers<[1], [0], [0], [1], [0, 0, 1, 1], [], []>, transpose_lhs_hint = false} : vector<2304x256xbf16>, vector<256x256xbf16>, vector<2304x256xf32> -> vector<2304x256xf32>
    %add3A_216 = arith.addf %add3A_187, %dot_general3A_215 : vector<2304x256xf32>
    %get3A_217 = arith.constant 104 : index
    %get3A_218 = arith.constant 0 : index
    %get3A_219 = vector.load %arg8[%get3A_217, %get3A_218] : memref<2416x256xf32, #tpu.memory_space<vmem>>, vector<2304x256xf32>
    %get3A_220 = arith.constant 7 : index
    %get3A_221 = arith.constant 0 : index
    %get3A_222 = arith.constant 0 : index
    %get3A_223 = vector.load %arg2[%get3A_220, %get3A_221, %get3A_222] : memref<9x256x64xf32, #tpu.memory_space<vmem>>, vector<1x256x64xf32>
    %get3A_224 = vector.shape_cast %get3A_223 : vector<1x256x64xf32> to vector<256x64xf32>
    %dot_general3A_225 = arith.constant dense<0.000000e+00> : vector<2304x64xf32>
    %dot_general3A_226 = tpu.matmul %get3A_219, %get3A_224, %dot_general3A_225 {dimension_numbers = #tpu.dot_dimension_numbers<[1], [0], [0], [1], [0, 0, 1, 1], [], []>, transpose_lhs_hint = false} : vector<2304x256xf32>, vector<256x64xf32>, vector<2304x64xf32> -> vector<2304x64xf32>
    %add3A_227 = arith.addf %add3A_206, %dot_general3A_226 : vector<2304x64xf32>
    %convert_element_type3A_228 = arith.truncf %get3A_219 : vector<2304x256xf32> to vector<2304x256xbf16>
    %get3A_229 = arith.constant 7 : index
    %get3A_230 = arith.constant 0 : index
    %get3A_231 = arith.constant 0 : index
    %get3A_232 = vector.load %arg3[%get3A_229, %get3A_230, %get3A_231] : memref<9x256x256xf32, #tpu.memory_space<vmem>>, vector<1x256x256xf32>
    %get3A_233 = vector.shape_cast %get3A_232 : vector<1x256x256xf32> to vector<256x256xf32>
    %convert_element_type3A_234 = arith.truncf %get3A_233 : vector<256x256xf32> to vector<256x256xbf16>
    %dot_general3A_235 = arith.constant dense<0.000000e+00> : vector<2304x256xf32>
    %dot_general3A_236 = tpu.matmul %convert_element_type3A_228, %convert_element_type3A_234, %dot_general3A_235 {dimension_numbers = #tpu.dot_dimension_numbers<[1], [0], [0], [1], [0, 0, 1, 1], [], []>, transpose_lhs_hint = false} : vector<2304x256xbf16>, vector<256x256xbf16>, vector<2304x256xf32> -> vector<2304x256xf32>
    %add3A_237 = arith.addf %add3A_216, %dot_general3A_236 : vector<2304x256xf32>
    %get3A_238 = arith.constant 105 : index
    %get3A_239 = arith.constant 0 : index
    %get3A_240 = vector.load %arg8[%get3A_238, %get3A_239] : memref<2416x256xf32, #tpu.memory_space<vmem>>, vector<2304x256xf32>
    %lt3A_241 = arith.constant 47 : i32
    %lt3A_242 = vector.broadcast %lt3A_241 : i32 to vector<2304x1xi32>
    %lt3A_243 = arith.cmpi slt, %select_n3A_28, %lt3A_242 : vector<2304x1xi32>
    %jit3A_244 = arith.constant 0.000000e+00 : f32
    %broadcast_in_dim3A_245 = vector.shape_cast %lt3A_243 : vector<2304x1xi1> to vector<2304x1xi1>
    %broadcast_in_dim3A_246 = vector.broadcast %broadcast_in_dim3A_245 : vector<2304x1xi1> to vector<2304x256xi1>
    %broadcast_in_dim3A_247 = vector.broadcast %jit3A_244 : f32 to vector<2304x256xf32>
    %select_n3A_248 = arith.select %broadcast_in_dim3A_246, %get3A_240, %broadcast_in_dim3A_247 : vector<2304x256xi1>, vector<2304x256xf32>
    %get3A_249 = arith.constant 8 : index
    %get3A_250 = arith.constant 0 : index
    %get3A_251 = arith.constant 0 : index
    %get3A_252 = vector.load %arg2[%get3A_249, %get3A_250, %get3A_251] : memref<9x256x64xf32, #tpu.memory_space<vmem>>, vector<1x256x64xf32>
    %get3A_253 = vector.shape_cast %get3A_252 : vector<1x256x64xf32> to vector<256x64xf32>
    %dot_general3A_254 = arith.constant dense<0.000000e+00> : vector<2304x64xf32>
    %dot_general3A_255 = tpu.matmul %select_n3A_248, %get3A_253, %dot_general3A_254 {dimension_numbers = #tpu.dot_dimension_numbers<[1], [0], [0], [1], [0, 0, 1, 1], [], []>, transpose_lhs_hint = false} : vector<2304x256xf32>, vector<256x64xf32>, vector<2304x64xf32> -> vector<2304x64xf32>
    %add3A_256 = arith.addf %add3A_227, %dot_general3A_255 : vector<2304x64xf32>
    %convert_element_type3A_257 = arith.truncf %select_n3A_248 : vector<2304x256xf32> to vector<2304x256xbf16>
    %get3A_258 = arith.constant 8 : index
    %get3A_259 = arith.constant 0 : index
    %get3A_260 = arith.constant 0 : index
    %get3A_261 = vector.load %arg3[%get3A_258, %get3A_259, %get3A_260] : memref<9x256x256xf32, #tpu.memory_space<vmem>>, vector<1x256x256xf32>
    %get3A_262 = vector.shape_cast %get3A_261 : vector<1x256x256xf32> to vector<256x256xf32>
    %convert_element_type3A_263 = arith.truncf %get3A_262 : vector<256x256xf32> to vector<256x256xbf16>
    %dot_general3A_264 = arith.constant dense<0.000000e+00> : vector<2304x256xf32>
    %dot_general3A_265 = tpu.matmul %convert_element_type3A_257, %convert_element_type3A_263, %dot_general3A_264 {dimension_numbers = #tpu.dot_dimension_numbers<[1], [0], [0], [1], [0, 0, 1, 1], [], []>, transpose_lhs_hint = false} : vector<2304x256xbf16>, vector<256x256xbf16>, vector<2304x256xf32> -> vector<2304x256xf32>
    %add3A_266 = arith.addf %add3A_237, %dot_general3A_265 : vector<2304x256xf32>
    %get3A_267 = arith.constant 0 : index
    %get3A_268 = arith.constant 0 : index
    %get3A_269 = vector.load %arg4[%get3A_267, %get3A_268] : memref<1x64xf32, #tpu.memory_space<vmem>>, vector<1x64xf32>
    %add3A_270 = vector.broadcast %get3A_269 : vector<1x64xf32> to vector<2304x64xf32>
    %add3A_271 = arith.addf %add3A_256, %add3A_270 : vector<2304x64xf32>
    %swap3A_272 = arith.constant 0 : index
    %swap3A_273 = arith.constant 0 : index
    %swap3A_274 = arith.constant 0 : index
    %swap3A_275 = vector.load %arg6[%swap3A_272, %swap3A_273, %swap3A_274] : memref<1x2304x64xf32, #tpu.memory_space<vmem>>, vector<1x2304x64xf32>
    %swap3A_276 = vector.shape_cast %swap3A_275 : vector<1x2304x64xf32> to vector<2304x64xf32>
    %swap3A_277 = vector.shape_cast %add3A_271 : vector<2304x64xf32> to vector<1x2304x64xf32>
    tpu.vector_store %arg6[%swap3A_272, %swap3A_273, %swap3A_274], %swap3A_277 {strides = array<i32>} : memref<1x2304x64xf32, #tpu.memory_space<vmem>>, vector<1x2304x64xf32>,
    %get3A_278 = arith.constant 0 : index
    %get3A_279 = arith.constant 0 : index
    %get3A_280 = vector.load %arg5[%get3A_278, %get3A_279] : memref<1x256xf32, #tpu.memory_space<vmem>>, vector<1x256xf32>
    %add3A_281 = vector.broadcast %get3A_280 : vector<1x256xf32> to vector<2304x256xf32>
    %add3A_282 = arith.addf %add3A_266, %add3A_281 : vector<2304x256xf32>
    %swap3A_283 = arith.constant 0 : index
    %swap3A_284 = arith.constant 0 : index
    %swap3A_285 = arith.constant 0 : index
    %swap3A_286 = vector.load %arg7[%swap3A_283, %swap3A_284, %swap3A_285] : memref<1x2304x256xf32, #tpu.memory_space<vmem>>, vector<1x2304x256xf32>
    %swap3A_287 = vector.shape_cast %swap3A_286 : vector<1x2304x256xf32> to vector<2304x256xf32>
    %swap3A_288 = vector.shape_cast %add3A_282 : vector<2304x256xf32> to vector<1x2304x256xf32>
    tpu.vector_store %arg7[%swap3A_283, %swap3A_284, %swap3A_285], %swap3A_288 {strides = array<i32>} : memref<1x2304x256xf32, #tpu.memory_space<vmem>>, vector<1x2304x256xf32>,
    return
  }
  func.func @transform_0(%arg0: i32) -> (i32, i32, i32) {
    %c0_i32 = arith.constant 0 : i32
    %c0_i32_0 = arith.constant 0 : i32
    %c0_i32_1 = arith.constant 0 : i32
    return %arg0, %c0_i32, %c0_i32_0 : i32, i32, i32
  }
  func.func @transform_1(%arg0: i32) -> (i32, i32, i32) {
    %c0_i32 = arith.constant 0 : i32
    %c0_i32_0 = arith.constant 0 : i32
    %c0_i32_1 = arith.constant 0 : i32
    %c0_i32_2 = arith.constant 0 : i32
    return %c0_i32, %c0_i32_0, %c0_i32_1 : i32, i32, i32
  }
  func.func @transform_2(%arg0: i32) -> (i32, i32, i32) {
    %c0_i32 = arith.constant 0 : i32
    %c0_i32_0 = arith.constant 0 : i32
    %c0_i32_1 = arith.constant 0 : i32
    %c0_i32_2 = arith.constant 0 : i32
    return %c0_i32, %c0_i32_0, %c0_i32_1 : i32, i32, i32
  }
  func.func @transform_3(%arg0: i32) -> (i32, i32) {
    %c0_i32 = arith.constant 0 : i32
    %c0_i32_0 = arith.constant 0 : i32
    %c0_i32_1 = arith.constant 0 : i32
    return %c0_i32, %c0_i32_0 : i32, i32
  }
  func.func @transform_4(%arg0: i32) -> (i32, i32) {
    %c0_i32 = arith.constant 0 : i32
    %c0_i32_0 = arith.constant 0 : i32
    %c0_i32_1 = arith.constant 0 : i32
    return %c0_i32, %c0_i32_0 : i32, i32
  }
  func.func @transform_5(%arg0: i32) -> (i32, i32, i32) {
    %c0_i32 = arith.constant 0 : i32
    %c0_i32_0 = arith.constant 0 : i32
    %c0_i32_1 = arith.constant 0 : i32
    return %arg0, %c0_i32, %c0_i32_0 : i32, i32, i32
  }
  func.func @transform_6(%arg0: i32) -> (i32, i32, i32) {
    %c0_i32 = arith.constant 0 : i32
    %c0_i32_0 = arith.constant 0 : i32
    %c0_i32_1 = arith.constant 0 : i32
    return %arg0, %c0_i32, %c0_i32_0 : i32, i32, i32
  }
}

module attributes {stable_mosaic.version = 14 : i64} {
  func.func @_hashpos_body(%arg0: i32, %arg1: memref<1x2304x64xf32, #tpu.memory_space<vmem>>, %arg2: memref<64x32xf32, #tpu.memory_space<vmem>>, %arg3: memref<4x2304x1xi32, #tpu.memory_space<vmem>>, %arg4: memref<2304x64xf32, #tpu.memory_space<vmem>>, %arg5: memref<2304x64xf32, #tpu.memory_space<vmem>>) attributes {dimension_semantics = [#tpu.dimension_semantics<arbitrary>], iteration_bounds = array<i64: 4>, scalar_prefetch = 0 : i64, scratch_operands = 2 : i64, tpu.core_type = #tpu.core_type<tc>, window_params = [{transform_indices = @transform_0, window_bounds = array<i64: 1, 2304, 64>}, {pipeline_mode = #tpu.pipeline_mode<synchronous>, transform_indices = @transform_1, window_bounds = array<i64: 64, 32>}, {transform_indices = @transform_2, window_bounds = array<i64: 4, 2304, 1>}]} {
    %get3A = arith.constant 0 : index
    %get3A_0 = arith.constant 0 : index
    %get3A_1 = arith.constant 0 : index
    %get3A_2 = vector.load %arg1[%get3A, %get3A_0, %get3A_1] : memref<1x2304x64xf32, #tpu.memory_space<vmem>>, vector<1x2304x64xf32>
    %get3A_3 = vector.shape_cast %get3A_2 : vector<1x2304x64xf32> to vector<2304x64xf32>
    %get3A_4 = arith.constant 0 : index
    %get3A_5 = arith.constant 0 : index
    %get3A_6 = vector.load %arg2[%get3A_4, %get3A_5] : memref<64x32xf32, #tpu.memory_space<vmem>>, vector<64x32xf32>
    %dot_general3A = arith.constant dense<0.000000e+00> : vector<2304x32xf32>
    %dot_general3A_7 = tpu.matmul %get3A_3, %get3A_6, %dot_general3A {dimension_numbers = #tpu.dot_dimension_numbers<[1], [0], [0], [1], [0, 0, 1, 1], [], []>, transpose_lhs_hint = false} : vector<2304x64xf32>, vector<64x32xf32>, vector<2304x32xf32> -> vector<2304x32xf32>
    %iota3A = tpu.iota {dimensions = array<i32: 1>} : vector<2304x8xi32>
    %slice3A = vector.extract_strided_slice %dot_general3A_7 {offsets = [0, 0], sizes = [2304, 8], strides = [1, 1]} : vector<2304x32xf32> to vector<2304x8xf32>
    %reduce_max3A = arith.constant dense<0xFF800000> : vector<2304xf32>
    %reduce_max3A_8 = vector.multi_reduction <maximumf>, %slice3A, %reduce_max3A [1] : vector<2304x8xf32> to vector<2304xf32>
    %broadcast_in_dim3A = vector.shape_cast %reduce_max3A_8 : vector<2304xf32> to vector<2304x1xf32>
    %reduce_min3A = arith.constant dense<0x7F800000> : vector<2304xf32>
    %reduce_min3A_9 = vector.multi_reduction <minimumf>, %slice3A, %reduce_min3A [1] : vector<2304x8xf32> to vector<2304xf32>
    %broadcast_in_dim3A_10 = vector.shape_cast %reduce_min3A_9 : vector<2304xf32> to vector<2304x1xf32>
    %eq3A = vector.broadcast %broadcast_in_dim3A : vector<2304x1xf32> to vector<2304x8xf32>
    %eq3A_11 = arith.cmpf oeq, %slice3A, %eq3A : vector<2304x8xf32>
    %jit3A = arith.constant 8 : i32
    %broadcast_in_dim3A_12 = vector.broadcast %jit3A : i32 to vector<2304x8xi32>
    %select_n3A = arith.select %eq3A_11, %iota3A, %broadcast_in_dim3A_12 : vector<2304x8xi1>, vector<2304x8xi32>
    %reduce_min3A_13 = arith.constant dense<2147483647> : vector<2304xi32>
    %reduce_min3A_14 = vector.multi_reduction <minsi>, %select_n3A, %reduce_min3A_13 [1] : vector<2304x8xi32> to vector<2304xi32>
    %broadcast_in_dim3A_15 = vector.shape_cast %reduce_min3A_14 : vector<2304xi32> to vector<2304x1xi32>
    %eq3A_16 = vector.broadcast %broadcast_in_dim3A_10 : vector<2304x1xf32> to vector<2304x8xf32>
    %eq3A_17 = arith.cmpf oeq, %slice3A, %eq3A_16 : vector<2304x8xf32>
    %jit3A_18 = arith.constant 8 : i32
    %broadcast_in_dim3A_19 = vector.broadcast %jit3A_18 : i32 to vector<2304x8xi32>
    %select_n3A_20 = arith.select %eq3A_17, %iota3A, %broadcast_in_dim3A_19 : vector<2304x8xi1>, vector<2304x8xi32>
    %reduce_min3A_21 = arith.constant dense<2147483647> : vector<2304xi32>
    %reduce_min3A_22 = vector.multi_reduction <minsi>, %select_n3A_20, %reduce_min3A_21 [1] : vector<2304x8xi32> to vector<2304xi32>
    %broadcast_in_dim3A_23 = vector.shape_cast %reduce_min3A_22 : vector<2304xi32> to vector<2304x1xi32>
    %neg3A = arith.constant 0.000000e+00 : f32
    %neg3A_24 = vector.broadcast %neg3A : f32 to vector<2304x1xf32>
    %neg3A_25 = arith.subf %neg3A_24, %broadcast_in_dim3A_10 : vector<2304x1xf32>
    %ge3A = arith.cmpf oge, %broadcast_in_dim3A, %neg3A_25 : vector<2304x1xf32>
    %add3A = arith.constant 8 : i32
    %add3A_26 = vector.broadcast %add3A : i32 to vector<2304x1xi32>
    %add3A_27 = arith.addi %broadcast_in_dim3A_23, %add3A_26 : vector<2304x1xi32>
    %select_n3A_28 = arith.select %ge3A, %broadcast_in_dim3A_15, %add3A_27 : vector<2304x1xi1>, vector<2304x1xi32>
    %add3A_29 = arith.constant 0 : i32
    %add3A_30 = vector.broadcast %add3A_29 : i32 to vector<2304x1xi32>
    %add3A_31 = arith.addi %select_n3A_28, %add3A_30 : vector<2304x1xi32>
    %broadcast_in_dim3A_32 = vector.shape_cast %add3A_31 : vector<2304x1xi32> to vector<2304x1xi32>
    %broadcast_in_dim3A_33 = vector.broadcast %broadcast_in_dim3A_32 : vector<2304x1xi32> to vector<2304x16xi32>
    %slice3A_34 = vector.extract_strided_slice %dot_general3A_7 {offsets = [0, 8], sizes = [2304, 8], strides = [1, 1]} : vector<2304x32xf32> to vector<2304x8xf32>
    %reduce_max3A_35 = arith.constant dense<0xFF800000> : vector<2304xf32>
    %reduce_max3A_36 = vector.multi_reduction <maximumf>, %slice3A_34, %reduce_max3A_35 [1] : vector<2304x8xf32> to vector<2304xf32>
    %broadcast_in_dim3A_37 = vector.shape_cast %reduce_max3A_36 : vector<2304xf32> to vector<2304x1xf32>
    %reduce_min3A_38 = arith.constant dense<0x7F800000> : vector<2304xf32>
    %reduce_min3A_39 = vector.multi_reduction <minimumf>, %slice3A_34, %reduce_min3A_38 [1] : vector<2304x8xf32> to vector<2304xf32>
    %broadcast_in_dim3A_40 = vector.shape_cast %reduce_min3A_39 : vector<2304xf32> to vector<2304x1xf32>
    %eq3A_41 = vector.broadcast %broadcast_in_dim3A_37 : vector<2304x1xf32> to vector<2304x8xf32>
    %eq3A_42 = arith.cmpf oeq, %slice3A_34, %eq3A_41 : vector<2304x8xf32>
    %jit3A_43 = arith.constant 8 : i32
    %broadcast_in_dim3A_44 = vector.broadcast %jit3A_43 : i32 to vector<2304x8xi32>
    %select_n3A_45 = arith.select %eq3A_42, %iota3A, %broadcast_in_dim3A_44 : vector<2304x8xi1>, vector<2304x8xi32>
    %reduce_min3A_46 = arith.constant dense<2147483647> : vector<2304xi32>
    %reduce_min3A_47 = vector.multi_reduction <minsi>, %select_n3A_45, %reduce_min3A_46 [1] : vector<2304x8xi32> to vector<2304xi32>
    %broadcast_in_dim3A_48 = vector.shape_cast %reduce_min3A_47 : vector<2304xi32> to vector<2304x1xi32>
    %eq3A_49 = vector.broadcast %broadcast_in_dim3A_40 : vector<2304x1xf32> to vector<2304x8xf32>
    %eq3A_50 = arith.cmpf oeq, %slice3A_34, %eq3A_49 : vector<2304x8xf32>
    %jit3A_51 = arith.constant 8 : i32
    %broadcast_in_dim3A_52 = vector.broadcast %jit3A_51 : i32 to vector<2304x8xi32>
    %select_n3A_53 = arith.select %eq3A_50, %iota3A, %broadcast_in_dim3A_52 : vector<2304x8xi1>, vector<2304x8xi32>
    %reduce_min3A_54 = arith.constant dense<2147483647> : vector<2304xi32>
    %reduce_min3A_55 = vector.multi_reduction <minsi>, %select_n3A_53, %reduce_min3A_54 [1] : vector<2304x8xi32> to vector<2304xi32>
    %broadcast_in_dim3A_56 = vector.shape_cast %reduce_min3A_55 : vector<2304xi32> to vector<2304x1xi32>
    %neg3A_57 = arith.constant 0.000000e+00 : f32
    %neg3A_58 = vector.broadcast %neg3A_57 : f32 to vector<2304x1xf32>
    %neg3A_59 = arith.subf %neg3A_58, %broadcast_in_dim3A_40 : vector<2304x1xf32>
    %ge3A_60 = arith.cmpf oge, %broadcast_in_dim3A_37, %neg3A_59 : vector<2304x1xf32>
    %add3A_61 = arith.constant 8 : i32
    %add3A_62 = vector.broadcast %add3A_61 : i32 to vector<2304x1xi32>
    %add3A_63 = arith.addi %broadcast_in_dim3A_56, %add3A_62 : vector<2304x1xi32>
    %select_n3A_64 = arith.select %ge3A_60, %broadcast_in_dim3A_48, %add3A_63 : vector<2304x1xi1>, vector<2304x1xi32>
    %add3A_65 = arith.constant 16 : i32
    %add3A_66 = vector.broadcast %add3A_65 : i32 to vector<2304x1xi32>
    %add3A_67 = arith.addi %select_n3A_64, %add3A_66 : vector<2304x1xi32>
    %broadcast_in_dim3A_68 = vector.shape_cast %add3A_67 : vector<2304x1xi32> to vector<2304x1xi32>
    %broadcast_in_dim3A_69 = vector.broadcast %broadcast_in_dim3A_68 : vector<2304x1xi32> to vector<2304x16xi32>
    %slice3A_70 = vector.extract_strided_slice %dot_general3A_7 {offsets = [0, 16], sizes = [2304, 8], strides = [1, 1]} : vector<2304x32xf32> to vector<2304x8xf32>
    %reduce_max3A_71 = arith.constant dense<0xFF800000> : vector<2304xf32>
    %reduce_max3A_72 = vector.multi_reduction <maximumf>, %slice3A_70, %reduce_max3A_71 [1] : vector<2304x8xf32> to vector<2304xf32>
    %broadcast_in_dim3A_73 = vector.shape_cast %reduce_max3A_72 : vector<2304xf32> to vector<2304x1xf32>
    %reduce_min3A_74 = arith.constant dense<0x7F800000> : vector<2304xf32>
    %reduce_min3A_75 = vector.multi_reduction <minimumf>, %slice3A_70, %reduce_min3A_74 [1] : vector<2304x8xf32> to vector<2304xf32>
    %broadcast_in_dim3A_76 = vector.shape_cast %reduce_min3A_75 : vector<2304xf32> to vector<2304x1xf32>
    %eq3A_77 = vector.broadcast %broadcast_in_dim3A_73 : vector<2304x1xf32> to vector<2304x8xf32>
    %eq3A_78 = arith.cmpf oeq, %slice3A_70, %eq3A_77 : vector<2304x8xf32>
    %jit3A_79 = arith.constant 8 : i32
    %broadcast_in_dim3A_80 = vector.broadcast %jit3A_79 : i32 to vector<2304x8xi32>
    %select_n3A_81 = arith.select %eq3A_78, %iota3A, %broadcast_in_dim3A_80 : vector<2304x8xi1>, vector<2304x8xi32>
    %reduce_min3A_82 = arith.constant dense<2147483647> : vector<2304xi32>
    %reduce_min3A_83 = vector.multi_reduction <minsi>, %select_n3A_81, %reduce_min3A_82 [1] : vector<2304x8xi32> to vector<2304xi32>
    %broadcast_in_dim3A_84 = vector.shape_cast %reduce_min3A_83 : vector<2304xi32> to vector<2304x1xi32>
    %eq3A_85 = vector.broadcast %broadcast_in_dim3A_76 : vector<2304x1xf32> to vector<2304x8xf32>
    %eq3A_86 = arith.cmpf oeq, %slice3A_70, %eq3A_85 : vector<2304x8xf32>
    %jit3A_87 = arith.constant 8 : i32
    %broadcast_in_dim3A_88 = vector.broadcast %jit3A_87 : i32 to vector<2304x8xi32>
    %select_n3A_89 = arith.select %eq3A_86, %iota3A, %broadcast_in_dim3A_88 : vector<2304x8xi1>, vector<2304x8xi32>
    %reduce_min3A_90 = arith.constant dense<2147483647> : vector<2304xi32>
    %reduce_min3A_91 = vector.multi_reduction <minsi>, %select_n3A_89, %reduce_min3A_90 [1] : vector<2304x8xi32> to vector<2304xi32>
    %broadcast_in_dim3A_92 = vector.shape_cast %reduce_min3A_91 : vector<2304xi32> to vector<2304x1xi32>
    %neg3A_93 = arith.constant 0.000000e+00 : f32
    %neg3A_94 = vector.broadcast %neg3A_93 : f32 to vector<2304x1xf32>
    %neg3A_95 = arith.subf %neg3A_94, %broadcast_in_dim3A_76 : vector<2304x1xf32>
    %ge3A_96 = arith.cmpf oge, %broadcast_in_dim3A_73, %neg3A_95 : vector<2304x1xf32>
    %add3A_97 = arith.constant 8 : i32
    %add3A_98 = vector.broadcast %add3A_97 : i32 to vector<2304x1xi32>
    %add3A_99 = arith.addi %broadcast_in_dim3A_92, %add3A_98 : vector<2304x1xi32>
    %select_n3A_100 = arith.select %ge3A_96, %broadcast_in_dim3A_84, %add3A_99 : vector<2304x1xi1>, vector<2304x1xi32>
    %add3A_101 = arith.constant 32 : i32
    %add3A_102 = vector.broadcast %add3A_101 : i32 to vector<2304x1xi32>
    %add3A_103 = arith.addi %select_n3A_100, %add3A_102 : vector<2304x1xi32>
    %broadcast_in_dim3A_104 = vector.shape_cast %add3A_103 : vector<2304x1xi32> to vector<2304x1xi32>
    %broadcast_in_dim3A_105 = vector.broadcast %broadcast_in_dim3A_104 : vector<2304x1xi32> to vector<2304x16xi32>
    %slice3A_106 = vector.extract_strided_slice %dot_general3A_7 {offsets = [0, 24], sizes = [2304, 8], strides = [1, 1]} : vector<2304x32xf32> to vector<2304x8xf32>
    %reduce_max3A_107 = arith.constant dense<0xFF800000> : vector<2304xf32>
    %reduce_max3A_108 = vector.multi_reduction <maximumf>, %slice3A_106, %reduce_max3A_107 [1] : vector<2304x8xf32> to vector<2304xf32>
    %broadcast_in_dim3A_109 = vector.shape_cast %reduce_max3A_108 : vector<2304xf32> to vector<2304x1xf32>
    %reduce_min3A_110 = arith.constant dense<0x7F800000> : vector<2304xf32>
    %reduce_min3A_111 = vector.multi_reduction <minimumf>, %slice3A_106, %reduce_min3A_110 [1] : vector<2304x8xf32> to vector<2304xf32>
    %broadcast_in_dim3A_112 = vector.shape_cast %reduce_min3A_111 : vector<2304xf32> to vector<2304x1xf32>
    %eq3A_113 = vector.broadcast %broadcast_in_dim3A_109 : vector<2304x1xf32> to vector<2304x8xf32>
    %eq3A_114 = arith.cmpf oeq, %slice3A_106, %eq3A_113 : vector<2304x8xf32>
    %jit3A_115 = arith.constant 8 : i32
    %broadcast_in_dim3A_116 = vector.broadcast %jit3A_115 : i32 to vector<2304x8xi32>
    %select_n3A_117 = arith.select %eq3A_114, %iota3A, %broadcast_in_dim3A_116 : vector<2304x8xi1>, vector<2304x8xi32>
    %reduce_min3A_118 = arith.constant dense<2147483647> : vector<2304xi32>
    %reduce_min3A_119 = vector.multi_reduction <minsi>, %select_n3A_117, %reduce_min3A_118 [1] : vector<2304x8xi32> to vector<2304xi32>
    %broadcast_in_dim3A_120 = vector.shape_cast %reduce_min3A_119 : vector<2304xi32> to vector<2304x1xi32>
    %eq3A_121 = vector.broadcast %broadcast_in_dim3A_112 : vector<2304x1xf32> to vector<2304x8xf32>
    %eq3A_122 = arith.cmpf oeq, %slice3A_106, %eq3A_121 : vector<2304x8xf32>
    %jit3A_123 = arith.constant 8 : i32
    %broadcast_in_dim3A_124 = vector.broadcast %jit3A_123 : i32 to vector<2304x8xi32>
    %select_n3A_125 = arith.select %eq3A_122, %iota3A, %broadcast_in_dim3A_124 : vector<2304x8xi1>, vector<2304x8xi32>
    %reduce_min3A_126 = arith.constant dense<2147483647> : vector<2304xi32>
    %reduce_min3A_127 = vector.multi_reduction <minsi>, %select_n3A_125, %reduce_min3A_126 [1] : vector<2304x8xi32> to vector<2304xi32>
    %broadcast_in_dim3A_128 = vector.shape_cast %reduce_min3A_127 : vector<2304xi32> to vector<2304x1xi32>
    %neg3A_129 = arith.constant 0.000000e+00 : f32
    %neg3A_130 = vector.broadcast %neg3A_129 : f32 to vector<2304x1xf32>
    %neg3A_131 = arith.subf %neg3A_130, %broadcast_in_dim3A_112 : vector<2304x1xf32>
    %ge3A_132 = arith.cmpf oge, %broadcast_in_dim3A_109, %neg3A_131 : vector<2304x1xf32>
    %add3A_133 = arith.constant 8 : i32
    %add3A_134 = vector.broadcast %add3A_133 : i32 to vector<2304x1xi32>
    %add3A_135 = arith.addi %broadcast_in_dim3A_128, %add3A_134 : vector<2304x1xi32>
    %select_n3A_136 = arith.select %ge3A_132, %broadcast_in_dim3A_120, %add3A_135 : vector<2304x1xi1>, vector<2304x1xi32>
    %add3A_137 = arith.constant 48 : i32
    %add3A_138 = vector.broadcast %add3A_137 : i32 to vector<2304x1xi32>
    %add3A_139 = arith.addi %select_n3A_136, %add3A_138 : vector<2304x1xi32>
    %broadcast_in_dim3A_140 = vector.shape_cast %add3A_139 : vector<2304x1xi32> to vector<2304x1xi32>
    %broadcast_in_dim3A_141 = vector.broadcast %broadcast_in_dim3A_140 : vector<2304x1xi32> to vector<2304x16xi32>
    %concatenate3A = tpu.concatenate %broadcast_in_dim3A_33, %broadcast_in_dim3A_69, %broadcast_in_dim3A_105, %broadcast_in_dim3A_141 in 1 : vector<2304x16xi32>, vector<2304x16xi32>, vector<2304x16xi32>, vector<2304x16xi32> -> vector<2304x64xi32>
    %iota3A_142 = tpu.iota {dimensions = array<i32: 1>} : vector<2304x64xi32>
    %eq3A_143 = arith.cmpi eq, %iota3A_142, %concatenate3A : vector<2304x64xi32>
    %convert_element_type3A = arith.extui %eq3A_143 : vector<2304x64xi1> to vector<2304x64xi32>
    %convert_element_type3A_144 = arith.sitofp %convert_element_type3A : vector<2304x64xi32> to vector<2304x64xf32>
    %iota3A_145 = tpu.iota {dimensions = array<i32: 0>} : vector<64x64xi32>
    %iota3A_146 = tpu.iota {dimensions = array<i32: 1>} : vector<64x64xi32>
    %jit3A_147 = arith.constant 16 : i32
    %div3A = vector.broadcast %jit3A_147 : i32 to vector<64x64xi32>
    %div3A_148 = arith.divsi %iota3A_145, %div3A : vector<64x64xi32>
    %sign3A = arith.constant 0 : i32
    %sign3A_149 = vector.broadcast %sign3A : i32 to vector<64x64xi32>
    %sign3A_150 = arith.cmpi sgt, %iota3A_145, %sign3A_149 : vector<64x64xi32>
    %sign3A_151 = arith.extui %sign3A_150 : vector<64x64xi1> to vector<64x64xi32>
    %sign3A_152 = arith.constant 0 : i32
    %sign3A_153 = vector.broadcast %sign3A_152 : i32 to vector<64x64xi32>
    %sign3A_154 = arith.cmpi slt, %iota3A_145, %sign3A_153 : vector<64x64xi32>
    %sign3A_155 = arith.extui %sign3A_154 : vector<64x64xi1> to vector<64x64xi32>
    %sign3A_156 = arith.subi %sign3A_151, %sign3A_155 : vector<64x64xi32>
    %sign3A_157 = arith.constant 0 : i32
    %sign3A_158 = arith.cmpi sgt, %jit3A_147, %sign3A_157 : i32
    %sign3A_159 = arith.extui %sign3A_158 : i1 to i32
    %sign3A_160 = arith.constant 0 : i32
    %sign3A_161 = arith.cmpi slt, %jit3A_147, %sign3A_160 : i32
    %sign3A_162 = arith.extui %sign3A_161 : i1 to i32
    %sign3A_163 = arith.subi %sign3A_159, %sign3A_162 : i32
    %ne3A = vector.broadcast %sign3A_163 : i32 to vector<64x64xi32>
    %ne3A_164 = arith.cmpi ne, %sign3A_156, %ne3A : vector<64x64xi32>
    %rem3A = vector.broadcast %jit3A_147 : i32 to vector<64x64xi32>
    %rem3A_165 = arith.remsi %iota3A_145, %rem3A : vector<64x64xi32>
    %ne3A_166 = arith.constant 0 : i32
    %ne3A_167 = vector.broadcast %ne3A_166 : i32 to vector<64x64xi32>
    %ne3A_168 = arith.cmpi ne, %rem3A_165, %ne3A_167 : vector<64x64xi32>
    %and3A = arith.andi %ne3A_164, %ne3A_168 : vector<64x64xi1>
    %sub3A = arith.constant 1 : i32
    %sub3A_169 = vector.broadcast %sub3A : i32 to vector<64x64xi32>
    %sub3A_170 = arith.subi %div3A_148, %sub3A_169 : vector<64x64xi32>
    %select_n3A_171 = arith.select %and3A, %sub3A_170, %div3A_148 : vector<64x64xi1>, vector<64x64xi32>
    %jit3A_172 = arith.constant 16 : i32
    %div3A_173 = vector.broadcast %jit3A_172 : i32 to vector<64x64xi32>
    %div3A_174 = arith.divsi %iota3A_146, %div3A_173 : vector<64x64xi32>
    %sign3A_175 = arith.constant 0 : i32
    %sign3A_176 = vector.broadcast %sign3A_175 : i32 to vector<64x64xi32>
    %sign3A_177 = arith.cmpi sgt, %iota3A_146, %sign3A_176 : vector<64x64xi32>
    %sign3A_178 = arith.extui %sign3A_177 : vector<64x64xi1> to vector<64x64xi32>
    %sign3A_179 = arith.constant 0 : i32
    %sign3A_180 = vector.broadcast %sign3A_179 : i32 to vector<64x64xi32>
    %sign3A_181 = arith.cmpi slt, %iota3A_146, %sign3A_180 : vector<64x64xi32>
    %sign3A_182 = arith.extui %sign3A_181 : vector<64x64xi1> to vector<64x64xi32>
    %sign3A_183 = arith.subi %sign3A_178, %sign3A_182 : vector<64x64xi32>
    %sign3A_184 = arith.constant 0 : i32
    %sign3A_185 = arith.cmpi sgt, %jit3A_172, %sign3A_184 : i32
    %sign3A_186 = arith.extui %sign3A_185 : i1 to i32
    %sign3A_187 = arith.constant 0 : i32
    %sign3A_188 = arith.cmpi slt, %jit3A_172, %sign3A_187 : i32
    %sign3A_189 = arith.extui %sign3A_188 : i1 to i32
    %sign3A_190 = arith.subi %sign3A_186, %sign3A_189 : i32
    %ne3A_191 = vector.broadcast %sign3A_190 : i32 to vector<64x64xi32>
    %ne3A_192 = arith.cmpi ne, %sign3A_183, %ne3A_191 : vector<64x64xi32>
    %rem3A_193 = vector.broadcast %jit3A_172 : i32 to vector<64x64xi32>
    %rem3A_194 = arith.remsi %iota3A_146, %rem3A_193 : vector<64x64xi32>
    %ne3A_195 = arith.constant 0 : i32
    %ne3A_196 = vector.broadcast %ne3A_195 : i32 to vector<64x64xi32>
    %ne3A_197 = arith.cmpi ne, %rem3A_194, %ne3A_196 : vector<64x64xi32>
    %and3A_198 = arith.andi %ne3A_192, %ne3A_197 : vector<64x64xi1>
    %sub3A_199 = arith.constant 1 : i32
    %sub3A_200 = vector.broadcast %sub3A_199 : i32 to vector<64x64xi32>
    %sub3A_201 = arith.subi %div3A_174, %sub3A_200 : vector<64x64xi32>
    %select_n3A_202 = arith.select %and3A_198, %sub3A_201, %div3A_174 : vector<64x64xi1>, vector<64x64xi32>
    %eq3A_203 = arith.cmpi eq, %select_n3A_171, %select_n3A_202 : vector<64x64xi32>
    %lt3A = arith.cmpi slt, %iota3A_145, %iota3A_146 : vector<64x64xi32>
    %and3A_204 = arith.andi %eq3A_203, %lt3A : vector<64x64xi1>
    %convert_element_type3A_205 = arith.extui %and3A_204 : vector<64x64xi1> to vector<64x64xi32>
    %convert_element_type3A_206 = arith.sitofp %convert_element_type3A_205 : vector<64x64xi32> to vector<64x64xf32>
    %convert_element_type3A_207 = arith.extui %eq3A_203 : vector<64x64xi1> to vector<64x64xi32>
    %convert_element_type3A_208 = arith.sitofp %convert_element_type3A_207 : vector<64x64xi32> to vector<64x64xf32>
    %swap3A = arith.constant 0 : index
    %swap3A_209 = arith.constant 0 : index
    %swap3A_210 = vector.load %arg4[%swap3A, %swap3A_209] : memref<2304x64xf32, #tpu.memory_space<vmem>>, vector<2304x64xf32>
    tpu.vector_store %arg4[%swap3A, %swap3A_209], %convert_element_type3A_144 {strides = array<i32>} : memref<2304x64xf32, #tpu.memory_space<vmem>>, vector<2304x64xf32>,
    %reduce_sum3A = arith.constant dense<0.000000e+00> : vector<64xf32>
    %reduce_sum3A_211 = vector.multi_reduction <add>, %convert_element_type3A_144, %reduce_sum3A [0] : vector<2304x64xf32> to vector<64xf32>
    %broadcast_in_dim3A_212 = vector.shape_cast %reduce_sum3A_211 : vector<64xf32> to vector<1x64xf32>
    %dot_general3A_213 = arith.constant dense<0.000000e+00> : vector<1x64xf32>
    %dot_general3A_214 = tpu.matmul %broadcast_in_dim3A_212, %convert_element_type3A_206, %dot_general3A_213 {dimension_numbers = #tpu.dot_dimension_numbers<[1], [0], [0], [1], [0, 0, 1, 1], [], []>, precision = #tpu.contract_precision<fp32>, transpose_lhs_hint = false} : vector<1x64xf32>, vector<64x64xf32>, vector<1x64xf32> -> vector<1x64xf32>
    %iota3A_215 = tpu.iota {dimensions = array<i32: 0>} : vector<128x128xi32>
    %iota3A_216 = tpu.iota {dimensions = array<i32: 1>} : vector<128x128xi32>
    %gt3A = arith.cmpi sgt, %iota3A_215, %iota3A_216 : vector<128x128xi32>
    %convert_element_type3A_217 = arith.extui %gt3A : vector<128x128xi1> to vector<128x128xi32>
    %convert_element_type3A_218 = arith.sitofp %convert_element_type3A_217 : vector<128x128xi32> to vector<128x128xf32>
    %broadcast_in_dim3A_219 = arith.constant 0.000000e+00 : f32
    %broadcast_in_dim3A_220 = vector.broadcast %broadcast_in_dim3A_219 : f32 to vector<1x64xf32>
    %scan3A = arith.constant 0 : i32
    %scan3A_221 = arith.constant 18 : i32
    %scan3A_222 = arith.addi %scan3A, %scan3A_221 : i32
    %scan3A_223 = arith.constant 1 : i32
    %scan3A_224 = scf.for %scan3A_294 = %scan3A to %scan3A_222 step %scan3A_223 iter_args(%scan3A_295 = %broadcast_in_dim3A_220) -> (vector<1x64xf32>)  : i32 {
      %mul3A_296 = arith.constant 128 : i32
      %mul3A_297 = arith.muli %scan3A_294, %mul3A_296 : i32
      %get3A_298 = arith.index_cast %mul3A_297 : i32 to index
      %get3A_299 = arith.constant 0 : index
      %get3A_300 = vector.load %arg4[%get3A_298, %get3A_299] : memref<2304x64xf32, #tpu.memory_space<vmem>>, vector<128x64xf32>
      %dot_general3A_301 = arith.constant dense<0.000000e+00> : vector<128x64xf32>
      %dot_general3A_302 = tpu.matmul %convert_element_type3A_218, %get3A_300, %dot_general3A_301 {dimension_numbers = #tpu.dot_dimension_numbers<[1], [0], [0], [1], [0, 0, 1, 1], [], []>, transpose_lhs_hint = false} : vector<128x128xf32>, vector<128x64xf32>, vector<128x64xf32> -> vector<128x64xf32>
      %add3A_303 = vector.broadcast %scan3A_295 : vector<1x64xf32> to vector<128x64xf32>
      %add3A_304 = arith.addf %dot_general3A_302, %add3A_303 : vector<128x64xf32>
      %add3A_305 = vector.broadcast %dot_general3A_214 : vector<1x64xf32> to vector<128x64xf32>
      %add3A_306 = arith.addf %add3A_304, %add3A_305 : vector<128x64xf32>
      %mul3A_307 = arith.mulf %get3A_300, %add3A_306 : vector<128x64xf32>
      %mul3A_308 = arith.constant 128 : i32
      %mul3A_309 = arith.muli %scan3A_294, %mul3A_308 : i32
      %swap3A_310 = arith.index_cast %mul3A_309 : i32 to index
      %swap3A_311 = arith.constant 0 : index
      %swap3A_312 = vector.load %arg5[%swap3A_310, %swap3A_311] : memref<2304x64xf32, #tpu.memory_space<vmem>>, vector<128x64xf32>
      tpu.vector_store %arg5[%swap3A_310, %swap3A_311], %mul3A_307 {strides = array<i32>} : memref<2304x64xf32, #tpu.memory_space<vmem>>, vector<128x64xf32>,
      %reduce_sum3A_313 = arith.constant dense<0.000000e+00> : vector<64xf32>
      %reduce_sum3A_314 = vector.multi_reduction <add>, %get3A_300, %reduce_sum3A_313 [0] : vector<128x64xf32> to vector<64xf32>
      %broadcast_in_dim3A_315 = vector.shape_cast %reduce_sum3A_314 : vector<64xf32> to vector<1x64xf32>
      %add3A_316 = arith.addf %scan3A_295, %broadcast_in_dim3A_315 : vector<1x64xf32>
      scf.yield %add3A_316 : vector<1x64xf32>
    }
    %scan3A_225 = arith.constant 18 : i32
    %get3A_226 = arith.constant 0 : index
    %get3A_227 = arith.constant 0 : index
    %get3A_228 = vector.load %arg5[%get3A_226, %get3A_227] : memref<2304x64xf32, #tpu.memory_space<vmem>>, vector<2304x64xf32>
    %dot_general3A_229 = arith.constant dense<0.000000e+00> : vector<2304x64xf32>
    %dot_general3A_230 = tpu.matmul %get3A_228, %convert_element_type3A_208, %dot_general3A_229 {dimension_numbers = #tpu.dot_dimension_numbers<[1], [0], [0], [1], [0, 0, 1, 1], [], []>, precision = #tpu.contract_precision<fp32>, transpose_lhs_hint = false} : vector<2304x64xf32>, vector<64x64xf32>, vector<2304x64xf32> -> vector<2304x64xf32>
    %mul3A = arith.constant 4 : i32
    %mul3A_231 = arith.muli %arg0, %mul3A : i32
    %add3A_232 = arith.constant 0 : i32
    %add3A_233 = arith.addi %mul3A_231, %add3A_232 : i32
    %slice3A_234 = vector.extract_strided_slice %dot_general3A_230 {offsets = [0, 0], sizes = [2304, 1], strides = [1, 1]} : vector<2304x64xf32> to vector<2304x1xf32>
    %convert_element_type3A_235 = arith.fptosi %slice3A_234 : vector<2304x1xf32> to vector<2304x1xi32>
    %mul3A_236 = arith.constant 2304 : i32
    %mul3A_237 = arith.muli %add3A_233, %mul3A_236 : i32
    %add3A_238 = vector.broadcast %mul3A_237 : i32 to vector<2304x1xi32>
    %add3A_239 = arith.addi %convert_element_type3A_235, %add3A_238 : vector<2304x1xi32>
    %swap3A_240 = arith.constant 0 : index
    %swap3A_241 = arith.constant 0 : index
    %swap3A_242 = arith.constant 0 : index
    %swap3A_243 = vector.load %arg3[%swap3A_240, %swap3A_241, %swap3A_242] : memref<4x2304x1xi32, #tpu.memory_space<vmem>>, vector<1x2304x1xi32>
    %swap3A_244 = vector.shape_cast %swap3A_243 : vector<1x2304x1xi32> to vector<2304x1xi32>
    %swap3A_245 = vector.shape_cast %add3A_239 : vector<2304x1xi32> to vector<1x2304x1xi32>
    tpu.vector_store %arg3[%swap3A_240, %swap3A_241, %swap3A_242], %swap3A_245 {strides = array<i32>} : memref<4x2304x1xi32, #tpu.memory_space<vmem>>, vector<1x2304x1xi32>,
    %mul3A_246 = arith.constant 4 : i32
    %mul3A_247 = arith.muli %arg0, %mul3A_246 : i32
    %add3A_248 = arith.constant 1 : i32
    %add3A_249 = arith.addi %mul3A_247, %add3A_248 : i32
    %slice3A_250 = vector.extract_strided_slice %dot_general3A_230 {offsets = [0, 16], sizes = [2304, 1], strides = [1, 1]} : vector<2304x64xf32> to vector<2304x1xf32>
    %convert_element_type3A_251 = arith.fptosi %slice3A_250 : vector<2304x1xf32> to vector<2304x1xi32>
    %mul3A_252 = arith.constant 2304 : i32
    %mul3A_253 = arith.muli %add3A_249, %mul3A_252 : i32
    %add3A_254 = vector.broadcast %mul3A_253 : i32 to vector<2304x1xi32>
    %add3A_255 = arith.addi %convert_element_type3A_251, %add3A_254 : vector<2304x1xi32>
    %swap3A_256 = arith.constant 1 : index
    %swap3A_257 = arith.constant 0 : index
    %swap3A_258 = arith.constant 0 : index
    %swap3A_259 = vector.load %arg3[%swap3A_256, %swap3A_257, %swap3A_258] : memref<4x2304x1xi32, #tpu.memory_space<vmem>>, vector<1x2304x1xi32>
    %swap3A_260 = vector.shape_cast %swap3A_259 : vector<1x2304x1xi32> to vector<2304x1xi32>
    %swap3A_261 = vector.shape_cast %add3A_255 : vector<2304x1xi32> to vector<1x2304x1xi32>
    tpu.vector_store %arg3[%swap3A_256, %swap3A_257, %swap3A_258], %swap3A_261 {strides = array<i32>} : memref<4x2304x1xi32, #tpu.memory_space<vmem>>, vector<1x2304x1xi32>,
    %mul3A_262 = arith.constant 4 : i32
    %mul3A_263 = arith.muli %arg0, %mul3A_262 : i32
    %add3A_264 = arith.constant 2 : i32
    %add3A_265 = arith.addi %mul3A_263, %add3A_264 : i32
    %slice3A_266 = vector.extract_strided_slice %dot_general3A_230 {offsets = [0, 32], sizes = [2304, 1], strides = [1, 1]} : vector<2304x64xf32> to vector<2304x1xf32>
    %convert_element_type3A_267 = arith.fptosi %slice3A_266 : vector<2304x1xf32> to vector<2304x1xi32>
    %mul3A_268 = arith.constant 2304 : i32
    %mul3A_269 = arith.muli %add3A_265, %mul3A_268 : i32
    %add3A_270 = vector.broadcast %mul3A_269 : i32 to vector<2304x1xi32>
    %add3A_271 = arith.addi %convert_element_type3A_267, %add3A_270 : vector<2304x1xi32>
    %swap3A_272 = arith.constant 2 : index
    %swap3A_273 = arith.constant 0 : index
    %swap3A_274 = arith.constant 0 : index
    %swap3A_275 = vector.load %arg3[%swap3A_272, %swap3A_273, %swap3A_274] : memref<4x2304x1xi32, #tpu.memory_space<vmem>>, vector<1x2304x1xi32>
    %swap3A_276 = vector.shape_cast %swap3A_275 : vector<1x2304x1xi32> to vector<2304x1xi32>
    %swap3A_277 = vector.shape_cast %add3A_271 : vector<2304x1xi32> to vector<1x2304x1xi32>
    tpu.vector_store %arg3[%swap3A_272, %swap3A_273, %swap3A_274], %swap3A_277 {strides = array<i32>} : memref<4x2304x1xi32, #tpu.memory_space<vmem>>, vector<1x2304x1xi32>,
    %mul3A_278 = arith.constant 4 : i32
    %mul3A_279 = arith.muli %arg0, %mul3A_278 : i32
    %add3A_280 = arith.constant 3 : i32
    %add3A_281 = arith.addi %mul3A_279, %add3A_280 : i32
    %slice3A_282 = vector.extract_strided_slice %dot_general3A_230 {offsets = [0, 48], sizes = [2304, 1], strides = [1, 1]} : vector<2304x64xf32> to vector<2304x1xf32>
    %convert_element_type3A_283 = arith.fptosi %slice3A_282 : vector<2304x1xf32> to vector<2304x1xi32>
    %mul3A_284 = arith.constant 2304 : i32
    %mul3A_285 = arith.muli %add3A_281, %mul3A_284 : i32
    %add3A_286 = vector.broadcast %mul3A_285 : i32 to vector<2304x1xi32>
    %add3A_287 = arith.addi %convert_element_type3A_283, %add3A_286 : vector<2304x1xi32>
    %swap3A_288 = arith.constant 3 : index
    %swap3A_289 = arith.constant 0 : index
    %swap3A_290 = arith.constant 0 : index
    %swap3A_291 = vector.load %arg3[%swap3A_288, %swap3A_289, %swap3A_290] : memref<4x2304x1xi32, #tpu.memory_space<vmem>>, vector<1x2304x1xi32>
    %swap3A_292 = vector.shape_cast %swap3A_291 : vector<1x2304x1xi32> to vector<2304x1xi32>
    %swap3A_293 = vector.shape_cast %add3A_287 : vector<2304x1xi32> to vector<1x2304x1xi32>
    tpu.vector_store %arg3[%swap3A_288, %swap3A_289, %swap3A_290], %swap3A_293 {strides = array<i32>} : memref<4x2304x1xi32, #tpu.memory_space<vmem>>, vector<1x2304x1xi32>,
    return
  }
  func.func @transform_0(%arg0: i32) -> (i32, i32, i32) {
    %c0_i32 = arith.constant 0 : i32
    %c0_i32_0 = arith.constant 0 : i32
    %c0_i32_1 = arith.constant 0 : i32
    return %arg0, %c0_i32, %c0_i32_0 : i32, i32, i32
  }
  func.func @transform_1(%arg0: i32) -> (i32, i32) {
    %c0_i32 = arith.constant 0 : i32
    %c0_i32_0 = arith.constant 0 : i32
    %c0_i32_1 = arith.constant 0 : i32
    return %c0_i32, %c0_i32_0 : i32, i32
  }
  func.func @transform_2(%arg0: i32) -> (i32, i32, i32) {
    %c0_i32 = arith.constant 0 : i32
    %c0_i32_0 = arith.constant 0 : i32
    %c0_i32_1 = arith.constant 0 : i32
    return %arg0, %c0_i32, %c0_i32_0 : i32, i32, i32
  }
}

module attributes {stable_mosaic.version = 14 : i64} {
  func.func @_att_body(%arg0: i32, %arg1: memref<2304x128xf32, #tpu.memory_space<vmem>>, %arg2: memref<2304x256xf32, #tpu.memory_space<vmem>>, %arg3: memref<2304x384xf32, #tpu.memory_space<vmem>>, %arg4: memref<2592x64xf32, #tpu.memory_space<vmem>>, %arg5: memref<2592x256xbf16, #tpu.memory_space<vmem>>) attributes {dimension_semantics = [#tpu.dimension_semantics<arbitrary>], iteration_bounds = array<i64: 16>, scalar_prefetch = 0 : i64, scratch_operands = 2 : i64, tpu.core_type = #tpu.core_type<tc>, window_params = [{transform_indices = @transform_0, window_bounds = array<i64: 2304, 128>}, {transform_indices = @transform_1, window_bounds = array<i64: 2304, 256>}, {transform_indices = @transform_2, window_bounds = array<i64: 2304, 384>}]} {
    %get3A = arith.constant 0 : index
    %get3A_0 = arith.constant 0 : index
    %get3A_1 = vector.load %arg1[%get3A, %get3A_0] : memref<2304x128xf32, #tpu.memory_space<vmem>>, vector<2304x64xf32>
    %mul3A = arith.mulf %get3A_1, %get3A_1 : vector<2304x64xf32>
    %reduce_sum3A = arith.constant dense<0.000000e+00> : vector<2304xf32>
    %reduce_sum3A_2 = vector.multi_reduction <add>, %mul3A, %reduce_sum3A [1] : vector<2304x64xf32> to vector<2304xf32>
    %broadcast_in_dim3A = vector.shape_cast %reduce_sum3A_2 : vector<2304xf32> to vector<2304x1xf32>
    %max3A = arith.constant 5.000000e-05 : f32
    %max3A_3 = vector.broadcast %max3A : f32 to vector<2304x1xf32>
    %max3A_4 = arith.maximumf %broadcast_in_dim3A, %max3A_3 : vector<2304x1xf32>
    %rsqrt3A = math.rsqrt %max3A_4 : vector<2304x1xf32>
    %mul3A_5 = vector.broadcast %rsqrt3A : vector<2304x1xf32> to vector<2304x64xf32>
    %mul3A_6 = arith.mulf %get3A_1, %mul3A_5 : vector<2304x64xf32>
    %swap3A = arith.constant 144 : index
    %swap3A_7 = arith.constant 0 : index
    %swap3A_8 = vector.load %arg4[%swap3A, %swap3A_7] : memref<2592x64xf32, #tpu.memory_space<vmem>>, vector<2304x64xf32>
    tpu.vector_store %arg4[%swap3A, %swap3A_7], %mul3A_6 {strides = array<i32>} : memref<2592x64xf32, #tpu.memory_space<vmem>>, vector<2304x64xf32>,
    %slice3A = vector.extract_strided_slice %mul3A_6 {offsets = [2160, 0], sizes = [144, 64], strides = [1, 1]} : vector<2304x64xf32> to vector<144x64xf32>
    %swap3A_9 = arith.constant 0 : index
    %swap3A_10 = arith.constant 0 : index
    %swap3A_11 = vector.load %arg4[%swap3A_9, %swap3A_10] : memref<2592x64xf32, #tpu.memory_space<vmem>>, vector<144x64xf32>
    tpu.vector_store %arg4[%swap3A_9, %swap3A_10], %slice3A {strides = array<i32>} : memref<2592x64xf32, #tpu.memory_space<vmem>>, vector<144x64xf32>,
    %slice3A_12 = vector.extract_strided_slice %mul3A_6 {offsets = [0, 0], sizes = [144, 64], strides = [1, 1]} : vector<2304x64xf32> to vector<144x64xf32>
    %swap3A_13 = arith.constant 2448 : index
    %swap3A_14 = arith.constant 0 : index
    %swap3A_15 = vector.load %arg4[%swap3A_13, %swap3A_14] : memref<2592x64xf32, #tpu.memory_space<vmem>>, vector<144x64xf32>
    tpu.vector_store %arg4[%swap3A_13, %swap3A_14], %slice3A_12 {strides = array<i32>} : memref<2592x64xf32, #tpu.memory_space<vmem>>, vector<144x64xf32>,
    %get3A_16 = arith.constant 0 : index
    %get3A_17 = arith.constant 0 : index
    %get3A_18 = vector.load %arg2[%get3A_16, %get3A_17] : memref<2304x256xf32, #tpu.memory_space<vmem>>, vector<2304x256xf32>
    %convert_element_type3A = arith.truncf %get3A_18 : vector<2304x256xf32> to vector<2304x256xbf16>
    %swap3A_19 = arith.constant 144 : index
    %swap3A_20 = arith.constant 0 : index
    %swap3A_21 = vector.load %arg5[%swap3A_19, %swap3A_20] : memref<2592x256xbf16, #tpu.memory_space<vmem>>, vector<2304x256xbf16>
    tpu.vector_store %arg5[%swap3A_19, %swap3A_20], %convert_element_type3A {strides = array<i32>} : memref<2592x256xbf16, #tpu.memory_space<vmem>>, vector<2304x256xbf16>,
    %slice3A_22 = vector.extract_strided_slice %convert_element_type3A {offsets = [2160, 0], sizes = [144, 256], strides = [1, 1]} : vector<2304x256xbf16> to vector<144x256xbf16>
    %swap3A_23 = arith.constant 0 : index
    %swap3A_24 = arith.constant 0 : index
    %swap3A_25 = vector.load %arg5[%swap3A_23, %swap3A_24] : memref<2592x256xbf16, #tpu.memory_space<vmem>>, vector<144x256xbf16>
    tpu.vector_store %arg5[%swap3A_23, %swap3A_24], %slice3A_22 {strides = array<i32>} : memref<2592x256xbf16, #tpu.memory_space<vmem>>, vector<144x256xbf16>,
    %slice3A_26 = vector.extract_strided_slice %convert_element_type3A {offsets = [0, 0], sizes = [144, 256], strides = [1, 1]} : vector<2304x256xbf16> to vector<144x256xbf16>
    %swap3A_27 = arith.constant 2448 : index
    %swap3A_28 = arith.constant 0 : index
    %swap3A_29 = vector.load %arg5[%swap3A_27, %swap3A_28] : memref<2592x256xbf16, #tpu.memory_space<vmem>>, vector<144x256xbf16>
    tpu.vector_store %arg5[%swap3A_27, %swap3A_28], %slice3A_26 {strides = array<i32>} : memref<2592x256xbf16, #tpu.memory_space<vmem>>, vector<144x256xbf16>,
    %slice3A_30 = vector.extract_strided_slice %get3A_1 {offsets = [0, 0], sizes = [144, 64], strides = [1, 1]} : vector<2304x64xf32> to vector<144x64xf32>
    %get3A_31 = arith.constant 0 : index
    %get3A_32 = arith.constant 0 : index
    %get3A_33 = vector.load %arg4[%get3A_31, %get3A_32] : memref<2592x64xf32, #tpu.memory_space<vmem>>, vector<432x64xf32>
    %dot_general3A = arith.constant dense<0.000000e+00> : vector<144x432xf32>
    %dot_general3A_34 = tpu.matmul %slice3A_30, %get3A_33, %dot_general3A {dimension_numbers = #tpu.dot_dimension_numbers<[1], [1], [0], [0], [0, 0, 1, 0], [], []>, transpose_lhs_hint = false} : vector<144x64xf32>, vector<432x64xf32>, vector<144x432xf32> -> vector<144x432xf32>
    %reduce_max3A = arith.constant dense<0xFF800000> : vector<144xf32>
    %reduce_max3A_35 = vector.multi_reduction <maximumf>, %dot_general3A_34, %reduce_max3A [1] : vector<144x432xf32> to vector<144xf32>
    %broadcast_in_dim3A_36 = vector.shape_cast %reduce_max3A_35 : vector<144xf32> to vector<144x1xf32>
    %sub3A = vector.broadcast %broadcast_in_dim3A_36 : vector<144x1xf32> to vector<144x432xf32>
    %sub3A_37 = arith.subf %dot_general3A_34, %sub3A : vector<144x432xf32>
    %exp3A = math.exp %sub3A_37 : vector<144x432xf32>
    %reduce_sum3A_38 = arith.constant dense<0.000000e+00> : vector<144xf32>
    %reduce_sum3A_39 = vector.multi_reduction <add>, %exp3A, %reduce_sum3A_38 [1] : vector<144x432xf32> to vector<144xf32>
    %broadcast_in_dim3A_40 = vector.shape_cast %reduce_sum3A_39 : vector<144xf32> to vector<144x1xf32>
    %log3A = math.log %broadcast_in_dim3A_40 : vector<144x1xf32>
    %add3A = arith.addf %broadcast_in_dim3A_36, %log3A : vector<144x1xf32>
    %div3A = vector.broadcast %broadcast_in_dim3A_40 : vector<144x1xf32> to vector<144x432xf32>
    %div3A_41 = arith.divf %exp3A, %div3A : vector<144x432xf32>
    %convert_element_type3A_42 = arith.truncf %div3A_41 : vector<144x432xf32> to vector<144x432xbf16>
    %get3A_43 = arith.constant 0 : index
    %get3A_44 = arith.constant 0 : index
    %get3A_45 = vector.load %arg5[%get3A_43, %get3A_44] : memref<2592x256xbf16, #tpu.memory_space<vmem>>, vector<432x256xbf16>
    %dot_general3A_46 = arith.constant dense<0.000000e+00> : vector<144x256xf32>
    %dot_general3A_47 = tpu.matmul %convert_element_type3A_42, %get3A_45, %dot_general3A_46 {dimension_numbers = #tpu.dot_dimension_numbers<[1], [0], [0], [1], [0, 0, 1, 1], [], []>, transpose_lhs_hint = false} : vector<144x432xbf16>, vector<432x256xbf16>, vector<144x256xf32> -> vector<144x256xf32>
    %broadcast_in_dim3A_48 = arith.constant 0.000000e+00 : f32
    %broadcast_in_dim3A_49 = vector.broadcast %broadcast_in_dim3A_48 : f32 to vector<144x127xf32>
    %concatenate3A = tpu.concatenate %dot_general3A_47, %add3A, %broadcast_in_dim3A_49 in 1 : vector<144x256xf32>, vector<144x1xf32>, vector<144x127xf32> -> vector<144x384xf32>
    %swap3A_50 = arith.constant 0 : index
    %swap3A_51 = arith.constant 0 : index
    %swap3A_52 = vector.load %arg3[%swap3A_50, %swap3A_51] : memref<2304x384xf32, #tpu.memory_space<vmem>>, vector<144x384xf32>
    tpu.vector_store %arg3[%swap3A_50, %swap3A_51], %concatenate3A {strides = array<i32>} : memref<2304x384xf32, #tpu.memory_space<vmem>>, vector<144x384xf32>,
    %slice3A_53 = vector.extract_strided_slice %get3A_1 {offsets = [144, 0], sizes = [144, 64], strides = [1, 1]} : vector<2304x64xf32> to vector<144x64xf32>
    %get3A_54 = arith.constant 144 : index
    %get3A_55 = arith.constant 0 : index
    %get3A_56 = vector.load %arg4[%get3A_54, %get3A_55] : memref<2592x64xf32, #tpu.memory_space<vmem>>, vector<432x64xf32>
    %dot_general3A_57 = arith.constant dense<0.000000e+00> : vector<144x432xf32>
    %dot_general3A_58 = tpu.matmul %slice3A_53, %get3A_56, %dot_general3A_57 {dimension_numbers = #tpu.dot_dimension_numbers<[1], [1], [0], [0], [0, 0, 1, 0], [], []>, transpose_lhs_hint = false} : vector<144x64xf32>, vector<432x64xf32>, vector<144x432xf32> -> vector<144x432xf32>
    %reduce_max3A_59 = arith.constant dense<0xFF800000> : vector<144xf32>
    %reduce_max3A_60 = vector.multi_reduction <maximumf>, %dot_general3A_58, %reduce_max3A_59 [1] : vector<144x432xf32> to vector<144xf32>
    %broadcast_in_dim3A_61 = vector.shape_cast %reduce_max3A_60 : vector<144xf32> to vector<144x1xf32>
    %sub3A_62 = vector.broadcast %broadcast_in_dim3A_61 : vector<144x1xf32> to vector<144x432xf32>
    %sub3A_63 = arith.subf %dot_general3A_58, %sub3A_62 : vector<144x432xf32>
    %exp3A_64 = math.exp %sub3A_63 : vector<144x432xf32>
    %reduce_sum3A_65 = arith.constant dense<0.000000e+00> : vector<144xf32>
    %reduce_sum3A_66 = vector.multi_reduction <add>, %exp3A_64, %reduce_sum3A_65 [1] : vector<144x432xf32> to vector<144xf32>
    %broadcast_in_dim3A_67 = vector.shape_cast %reduce_sum3A_66 : vector<144xf32> to vector<144x1xf32>
    %log3A_68 = math.log %broadcast_in_dim3A_67 : vector<144x1xf32>
    %add3A_69 = arith.addf %broadcast_in_dim3A_61, %log3A_68 : vector<144x1xf32>
    %div3A_70 = vector.broadcast %broadcast_in_dim3A_67 : vector<144x1xf32> to vector<144x432xf32>
    %div3A_71 = arith.divf %exp3A_64, %div3A_70 : vector<144x432xf32>
    %convert_element_type3A_72 = arith.truncf %div3A_71 : vector<144x432xf32> to vector<144x432xbf16>
    %get3A_73 = arith.constant 144 : index
    %get3A_74 = arith.constant 0 : index
    %get3A_75 = vector.load %arg5[%get3A_73, %get3A_74] : memref<2592x256xbf16, #tpu.memory_space<vmem>>, vector<432x256xbf16>
    %dot_general3A_76 = arith.constant dense<0.000000e+00> : vector<144x256xf32>
    %dot_general3A_77 = tpu.matmul %convert_element_type3A_72, %get3A_75, %dot_general3A_76 {dimension_numbers = #tpu.dot_dimension_numbers<[1], [0], [0], [1], [0, 0, 1, 1], [], []>, transpose_lhs_hint = false} : vector<144x432xbf16>, vector<432x256xbf16>, vector<144x256xf32> -> vector<144x256xf32>
    %broadcast_in_dim3A_78 = arith.constant 0.000000e+00 : f32
    %broadcast_in_dim3A_79 = vector.broadcast %broadcast_in_dim3A_78 : f32 to vector<144x127xf32>
    %concatenate3A_80 = tpu.concatenate %dot_general3A_77, %add3A_69, %broadcast_in_dim3A_79 in 1 : vector<144x256xf32>, vector<144x1xf32>, vector<144x127xf32> -> vector<144x384xf32>
    %swap3A_81 = arith.constant 144 : index
    %swap3A_82 = arith.constant 0 : index
    %swap3A_83 = vector.load %arg3[%swap3A_81, %swap3A_82] : memref<2304x384xf32, #tpu.memory_space<vmem>>, vector<144x384xf32>
    tpu.vector_store %arg3[%swap3A_81, %swap3A_82], %concatenate3A_80 {strides = array<i32>} : memref<2304x384xf32, #tpu.memory_space<vmem>>, vector<144x384xf32>,
    %slice3A_84 = vector.extract_strided_slice %get3A_1 {offsets = [288, 0], sizes = [144, 64], strides = [1, 1]} : vector<2304x64xf32> to vector<144x64xf32>
    %get3A_85 = arith.constant 288 : index
    %get3A_86 = arith.constant 0 : index
    %get3A_87 = vector.load %arg4[%get3A_85, %get3A_86] : memref<2592x64xf32, #tpu.memory_space<vmem>>, vector<432x64xf32>
    %dot_general3A_88 = arith.constant dense<0.000000e+00> : vector<144x432xf32>
    %dot_general3A_89 = tpu.matmul %slice3A_84, %get3A_87, %dot_general3A_88 {dimension_numbers = #tpu.dot_dimension_numbers<[1], [1], [0], [0], [0, 0, 1, 0], [], []>, transpose_lhs_hint = false} : vector<144x64xf32>, vector<432x64xf32>, vector<144x432xf32> -> vector<144x432xf32>
    %reduce_max3A_90 = arith.constant dense<0xFF800000> : vector<144xf32>
    %reduce_max3A_91 = vector.multi_reduction <maximumf>, %dot_general3A_89, %reduce_max3A_90 [1] : vector<144x432xf32> to vector<144xf32>
    %broadcast_in_dim3A_92 = vector.shape_cast %reduce_max3A_91 : vector<144xf32> to vector<144x1xf32>
    %sub3A_93 = vector.broadcast %broadcast_in_dim3A_92 : vector<144x1xf32> to vector<144x432xf32>
    %sub3A_94 = arith.subf %dot_general3A_89, %sub3A_93 : vector<144x432xf32>
    %exp3A_95 = math.exp %sub3A_94 : vector<144x432xf32>
    %reduce_sum3A_96 = arith.constant dense<0.000000e+00> : vector<144xf32>
    %reduce_sum3A_97 = vector.multi_reduction <add>, %exp3A_95, %reduce_sum3A_96 [1] : vector<144x432xf32> to vector<144xf32>
    %broadcast_in_dim3A_98 = vector.shape_cast %reduce_sum3A_97 : vector<144xf32> to vector<144x1xf32>
    %log3A_99 = math.log %broadcast_in_dim3A_98 : vector<144x1xf32>
    %add3A_100 = arith.addf %broadcast_in_dim3A_92, %log3A_99 : vector<144x1xf32>
    %div3A_101 = vector.broadcast %broadcast_in_dim3A_98 : vector<144x1xf32> to vector<144x432xf32>
    %div3A_102 = arith.divf %exp3A_95, %div3A_101 : vector<144x432xf32>
    %convert_element_type3A_103 = arith.truncf %div3A_102 : vector<144x432xf32> to vector<144x432xbf16>
    %get3A_104 = arith.constant 288 : index
    %get3A_105 = arith.constant 0 : index
    %get3A_106 = vector.load %arg5[%get3A_104, %get3A_105] : memref<2592x256xbf16, #tpu.memory_space<vmem>>, vector<432x256xbf16>
    %dot_general3A_107 = arith.constant dense<0.000000e+00> : vector<144x256xf32>
    %dot_general3A_108 = tpu.matmul %convert_element_type3A_103, %get3A_106, %dot_general3A_107 {dimension_numbers = #tpu.dot_dimension_numbers<[1], [0], [0], [1], [0, 0, 1, 1], [], []>, transpose_lhs_hint = false} : vector<144x432xbf16>, vector<432x256xbf16>, vector<144x256xf32> -> vector<144x256xf32>
    %broadcast_in_dim3A_109 = arith.constant 0.000000e+00 : f32
    %broadcast_in_dim3A_110 = vector.broadcast %broadcast_in_dim3A_109 : f32 to vector<144x127xf32>
    %concatenate3A_111 = tpu.concatenate %dot_general3A_108, %add3A_100, %broadcast_in_dim3A_110 in 1 : vector<144x256xf32>, vector<144x1xf32>, vector<144x127xf32> -> vector<144x384xf32>
    %swap3A_112 = arith.constant 288 : index
    %swap3A_113 = arith.constant 0 : index
    %swap3A_114 = vector.load %arg3[%swap3A_112, %swap3A_113] : memref<2304x384xf32, #tpu.memory_space<vmem>>, vector<144x384xf32>
    tpu.vector_store %arg3[%swap3A_112, %swap3A_113], %concatenate3A_111 {strides = array<i32>} : memref<2304x384xf32, #tpu.memory_space<vmem>>, vector<144x384xf32>,
    %slice3A_115 = vector.extract_strided_slice %get3A_1 {offsets = [432, 0], sizes = [144, 64], strides = [1, 1]} : vector<2304x64xf32> to vector<144x64xf32>
    %get3A_116 = arith.constant 432 : index
    %get3A_117 = arith.constant 0 : index
    %get3A_118 = vector.load %arg4[%get3A_116, %get3A_117] : memref<2592x64xf32, #tpu.memory_space<vmem>>, vector<432x64xf32>
    %dot_general3A_119 = arith.constant dense<0.000000e+00> : vector<144x432xf32>
    %dot_general3A_120 = tpu.matmul %slice3A_115, %get3A_118, %dot_general3A_119 {dimension_numbers = #tpu.dot_dimension_numbers<[1], [1], [0], [0], [0, 0, 1, 0], [], []>, transpose_lhs_hint = false} : vector<144x64xf32>, vector<432x64xf32>, vector<144x432xf32> -> vector<144x432xf32>
    %reduce_max3A_121 = arith.constant dense<0xFF800000> : vector<144xf32>
    %reduce_max3A_122 = vector.multi_reduction <maximumf>, %dot_general3A_120, %reduce_max3A_121 [1] : vector<144x432xf32> to vector<144xf32>
    %broadcast_in_dim3A_123 = vector.shape_cast %reduce_max3A_122 : vector<144xf32> to vector<144x1xf32>
    %sub3A_124 = vector.broadcast %broadcast_in_dim3A_123 : vector<144x1xf32> to vector<144x432xf32>
    %sub3A_125 = arith.subf %dot_general3A_120, %sub3A_124 : vector<144x432xf32>
    %exp3A_126 = math.exp %sub3A_125 : vector<144x432xf32>
    %reduce_sum3A_127 = arith.constant dense<0.000000e+00> : vector<144xf32>
    %reduce_sum3A_128 = vector.multi_reduction <add>, %exp3A_126, %reduce_sum3A_127 [1] : vector<144x432xf32> to vector<144xf32>
    %broadcast_in_dim3A_129 = vector.shape_cast %reduce_sum3A_128 : vector<144xf32> to vector<144x1xf32>
    %log3A_130 = math.log %broadcast_in_dim3A_129 : vector<144x1xf32>
    %add3A_131 = arith.addf %broadcast_in_dim3A_123, %log3A_130 : vector<144x1xf32>
    %div3A_132 = vector.broadcast %broadcast_in_dim3A_129 : vector<144x1xf32> to vector<144x432xf32>
    %div3A_133 = arith.divf %exp3A_126, %div3A_132 : vector<144x432xf32>
    %convert_element_type3A_134 = arith.truncf %div3A_133 : vector<144x432xf32> to vector<144x432xbf16>
    %get3A_135 = arith.constant 432 : index
    %get3A_136 = arith.constant 0 : index
    %get3A_137 = vector.load %arg5[%get3A_135, %get3A_136] : memref<2592x256xbf16, #tpu.memory_space<vmem>>, vector<432x256xbf16>
    %dot_general3A_138 = arith.constant dense<0.000000e+00> : vector<144x256xf32>
    %dot_general3A_139 = tpu.matmul %convert_element_type3A_134, %get3A_137, %dot_general3A_138 {dimension_numbers = #tpu.dot_dimension_numbers<[1], [0], [0], [1], [0, 0, 1, 1], [], []>, transpose_lhs_hint = false} : vector<144x432xbf16>, vector<432x256xbf16>, vector<144x256xf32> -> vector<144x256xf32>
    %broadcast_in_dim3A_140 = arith.constant 0.000000e+00 : f32
    %broadcast_in_dim3A_141 = vector.broadcast %broadcast_in_dim3A_140 : f32 to vector<144x127xf32>
    %concatenate3A_142 = tpu.concatenate %dot_general3A_139, %add3A_131, %broadcast_in_dim3A_141 in 1 : vector<144x256xf32>, vector<144x1xf32>, vector<144x127xf32> -> vector<144x384xf32>
    %swap3A_143 = arith.constant 432 : index
    %swap3A_144 = arith.constant 0 : index
    %swap3A_145 = vector.load %arg3[%swap3A_143, %swap3A_144] : memref<2304x384xf32, #tpu.memory_space<vmem>>, vector<144x384xf32>
    tpu.vector_store %arg3[%swap3A_143, %swap3A_144], %concatenate3A_142 {strides = array<i32>} : memref<2304x384xf32, #tpu.memory_space<vmem>>, vector<144x384xf32>,
    %slice3A_146 = vector.extract_strided_slice %get3A_1 {offsets = [576, 0], sizes = [144, 64], strides = [1, 1]} : vector<2304x64xf32> to vector<144x64xf32>
    %get3A_147 = arith.constant 576 : index
    %get3A_148 = arith.constant 0 : index
    %get3A_149 = vector.load %arg4[%get3A_147, %get3A_148] : memref<2592x64xf32, #tpu.memory_space<vmem>>, vector<432x64xf32>
    %dot_general3A_150 = arith.constant dense<0.000000e+00> : vector<144x432xf32>
    %dot_general3A_151 = tpu.matmul %slice3A_146, %get3A_149, %dot_general3A_150 {dimension_numbers = #tpu.dot_dimension_numbers<[1], [1], [0], [0], [0, 0, 1, 0], [], []>, transpose_lhs_hint = false} : vector<144x64xf32>, vector<432x64xf32>, vector<144x432xf32> -> vector<144x432xf32>
    %reduce_max3A_152 = arith.constant dense<0xFF800000> : vector<144xf32>
    %reduce_max3A_153 = vector.multi_reduction <maximumf>, %dot_general3A_151, %reduce_max3A_152 [1] : vector<144x432xf32> to vector<144xf32>
    %broadcast_in_dim3A_154 = vector.shape_cast %reduce_max3A_153 : vector<144xf32> to vector<144x1xf32>
    %sub3A_155 = vector.broadcast %broadcast_in_dim3A_154 : vector<144x1xf32> to vector<144x432xf32>
    %sub3A_156 = arith.subf %dot_general3A_151, %sub3A_155 : vector<144x432xf32>
    %exp3A_157 = math.exp %sub3A_156 : vector<144x432xf32>
    %reduce_sum3A_158 = arith.constant dense<0.000000e+00> : vector<144xf32>
    %reduce_sum3A_159 = vector.multi_reduction <add>, %exp3A_157, %reduce_sum3A_158 [1] : vector<144x432xf32> to vector<144xf32>
    %broadcast_in_dim3A_160 = vector.shape_cast %reduce_sum3A_159 : vector<144xf32> to vector<144x1xf32>
    %log3A_161 = math.log %broadcast_in_dim3A_160 : vector<144x1xf32>
    %add3A_162 = arith.addf %broadcast_in_dim3A_154, %log3A_161 : vector<144x1xf32>
    %div3A_163 = vector.broadcast %broadcast_in_dim3A_160 : vector<144x1xf32> to vector<144x432xf32>
    %div3A_164 = arith.divf %exp3A_157, %div3A_163 : vector<144x432xf32>
    %convert_element_type3A_165 = arith.truncf %div3A_164 : vector<144x432xf32> to vector<144x432xbf16>
    %get3A_166 = arith.constant 576 : index
    %get3A_167 = arith.constant 0 : index
    %get3A_168 = vector.load %arg5[%get3A_166, %get3A_167] : memref<2592x256xbf16, #tpu.memory_space<vmem>>, vector<432x256xbf16>
    %dot_general3A_169 = arith.constant dense<0.000000e+00> : vector<144x256xf32>
    %dot_general3A_170 = tpu.matmul %convert_element_type3A_165, %get3A_168, %dot_general3A_169 {dimension_numbers = #tpu.dot_dimension_numbers<[1], [0], [0], [1], [0, 0, 1, 1], [], []>, transpose_lhs_hint = false} : vector<144x432xbf16>, vector<432x256xbf16>, vector<144x256xf32> -> vector<144x256xf32>
    %broadcast_in_dim3A_171 = arith.constant 0.000000e+00 : f32
    %broadcast_in_dim3A_172 = vector.broadcast %broadcast_in_dim3A_171 : f32 to vector<144x127xf32>
    %concatenate3A_173 = tpu.concatenate %dot_general3A_170, %add3A_162, %broadcast_in_dim3A_172 in 1 : vector<144x256xf32>, vector<144x1xf32>, vector<144x127xf32> -> vector<144x384xf32>
    %swap3A_174 = arith.constant 576 : index
    %swap3A_175 = arith.constant 0 : index
    %swap3A_176 = vector.load %arg3[%swap3A_174, %swap3A_175] : memref<2304x384xf32, #tpu.memory_space<vmem>>, vector<144x384xf32>
    tpu.vector_store %arg3[%swap3A_174, %swap3A_175], %concatenate3A_173 {strides = array<i32>} : memref<2304x384xf32, #tpu.memory_space<vmem>>, vector<144x384xf32>,
    %slice3A_177 = vector.extract_strided_slice %get3A_1 {offsets = [720, 0], sizes = [144, 64], strides = [1, 1]} : vector<2304x64xf32> to vector<144x64xf32>
    %get3A_178 = arith.constant 720 : index
    %get3A_179 = arith.constant 0 : index
    %get3A_180 = vector.load %arg4[%get3A_178, %get3A_179] : memref<2592x64xf32, #tpu.memory_space<vmem>>, vector<432x64xf32>
    %dot_general3A_181 = arith.constant dense<0.000000e+00> : vector<144x432xf32>
    %dot_general3A_182 = tpu.matmul %slice3A_177, %get3A_180, %dot_general3A_181 {dimension_numbers = #tpu.dot_dimension_numbers<[1], [1], [0], [0], [0, 0, 1, 0], [], []>, transpose_lhs_hint = false} : vector<144x64xf32>, vector<432x64xf32>, vector<144x432xf32> -> vector<144x432xf32>
    %reduce_max3A_183 = arith.constant dense<0xFF800000> : vector<144xf32>
    %reduce_max3A_184 = vector.multi_reduction <maximumf>, %dot_general3A_182, %reduce_max3A_183 [1] : vector<144x432xf32> to vector<144xf32>
    %broadcast_in_dim3A_185 = vector.shape_cast %reduce_max3A_184 : vector<144xf32> to vector<144x1xf32>
    %sub3A_186 = vector.broadcast %broadcast_in_dim3A_185 : vector<144x1xf32> to vector<144x432xf32>
    %sub3A_187 = arith.subf %dot_general3A_182, %sub3A_186 : vector<144x432xf32>
    %exp3A_188 = math.exp %sub3A_187 : vector<144x432xf32>
    %reduce_sum3A_189 = arith.constant dense<0.000000e+00> : vector<144xf32>
    %reduce_sum3A_190 = vector.multi_reduction <add>, %exp3A_188, %reduce_sum3A_189 [1] : vector<144x432xf32> to vector<144xf32>
    %broadcast_in_dim3A_191 = vector.shape_cast %reduce_sum3A_190 : vector<144xf32> to vector<144x1xf32>
    %log3A_192 = math.log %broadcast_in_dim3A_191 : vector<144x1xf32>
    %add3A_193 = arith.addf %broadcast_in_dim3A_185, %log3A_192 : vector<144x1xf32>
    %div3A_194 = vector.broadcast %broadcast_in_dim3A_191 : vector<144x1xf32> to vector<144x432xf32>
    %div3A_195 = arith.divf %exp3A_188, %div3A_194 : vector<144x432xf32>
    %convert_element_type3A_196 = arith.truncf %div3A_195 : vector<144x432xf32> to vector<144x432xbf16>
    %get3A_197 = arith.constant 720 : index
    %get3A_198 = arith.constant 0 : index
    %get3A_199 = vector.load %arg5[%get3A_197, %get3A_198] : memref<2592x256xbf16, #tpu.memory_space<vmem>>, vector<432x256xbf16>
    %dot_general3A_200 = arith.constant dense<0.000000e+00> : vector<144x256xf32>
    %dot_general3A_201 = tpu.matmul %convert_element_type3A_196, %get3A_199, %dot_general3A_200 {dimension_numbers = #tpu.dot_dimension_numbers<[1], [0], [0], [1], [0, 0, 1, 1], [], []>, transpose_lhs_hint = false} : vector<144x432xbf16>, vector<432x256xbf16>, vector<144x256xf32> -> vector<144x256xf32>
    %broadcast_in_dim3A_202 = arith.constant 0.000000e+00 : f32
    %broadcast_in_dim3A_203 = vector.broadcast %broadcast_in_dim3A_202 : f32 to vector<144x127xf32>
    %concatenate3A_204 = tpu.concatenate %dot_general3A_201, %add3A_193, %broadcast_in_dim3A_203 in 1 : vector<144x256xf32>, vector<144x1xf32>, vector<144x127xf32> -> vector<144x384xf32>
    %swap3A_205 = arith.constant 720 : index
    %swap3A_206 = arith.constant 0 : index
    %swap3A_207 = vector.load %arg3[%swap3A_205, %swap3A_206] : memref<2304x384xf32, #tpu.memory_space<vmem>>, vector<144x384xf32>
    tpu.vector_store %arg3[%swap3A_205, %swap3A_206], %concatenate3A_204 {strides = array<i32>} : memref<2304x384xf32, #tpu.memory_space<vmem>>, vector<144x384xf32>,
    %slice3A_208 = vector.extract_strided_slice %get3A_1 {offsets = [864, 0], sizes = [144, 64], strides = [1, 1]} : vector<2304x64xf32> to vector<144x64xf32>
    %get3A_209 = arith.constant 864 : index
    %get3A_210 = arith.constant 0 : index
    %get3A_211 = vector.load %arg4[%get3A_209, %get3A_210] : memref<2592x64xf32, #tpu.memory_space<vmem>>, vector<432x64xf32>
    %dot_general3A_212 = arith.constant dense<0.000000e+00> : vector<144x432xf32>
    %dot_general3A_213 = tpu.matmul %slice3A_208, %get3A_211, %dot_general3A_212 {dimension_numbers = #tpu.dot_dimension_numbers<[1], [1], [0], [0], [0, 0, 1, 0], [], []>, transpose_lhs_hint = false} : vector<144x64xf32>, vector<432x64xf32>, vector<144x432xf32> -> vector<144x432xf32>
    %reduce_max3A_214 = arith.constant dense<0xFF800000> : vector<144xf32>
    %reduce_max3A_215 = vector.multi_reduction <maximumf>, %dot_general3A_213, %reduce_max3A_214 [1] : vector<144x432xf32> to vector<144xf32>
    %broadcast_in_dim3A_216 = vector.shape_cast %reduce_max3A_215 : vector<144xf32> to vector<144x1xf32>
    %sub3A_217 = vector.broadcast %broadcast_in_dim3A_216 : vector<144x1xf32> to vector<144x432xf32>
    %sub3A_218 = arith.subf %dot_general3A_213, %sub3A_217 : vector<144x432xf32>
    %exp3A_219 = math.exp %sub3A_218 : vector<144x432xf32>
    %reduce_sum3A_220 = arith.constant dense<0.000000e+00> : vector<144xf32>
    %reduce_sum3A_221 = vector.multi_reduction <add>, %exp3A_219, %reduce_sum3A_220 [1] : vector<144x432xf32> to vector<144xf32>
    %broadcast_in_dim3A_222 = vector.shape_cast %reduce_sum3A_221 : vector<144xf32> to vector<144x1xf32>
    %log3A_223 = math.log %broadcast_in_dim3A_222 : vector<144x1xf32>
    %add3A_224 = arith.addf %broadcast_in_dim3A_216, %log3A_223 : vector<144x1xf32>
    %div3A_225 = vector.broadcast %broadcast_in_dim3A_222 : vector<144x1xf32> to vector<144x432xf32>
    %div3A_226 = arith.divf %exp3A_219, %div3A_225 : vector<144x432xf32>
    %convert_element_type3A_227 = arith.truncf %div3A_226 : vector<144x432xf32> to vector<144x432xbf16>
    %get3A_228 = arith.constant 864 : index
    %get3A_229 = arith.constant 0 : index
    %get3A_230 = vector.load %arg5[%get3A_228, %get3A_229] : memref<2592x256xbf16, #tpu.memory_space<vmem>>, vector<432x256xbf16>
    %dot_general3A_231 = arith.constant dense<0.000000e+00> : vector<144x256xf32>
    %dot_general3A_232 = tpu.matmul %convert_element_type3A_227, %get3A_230, %dot_general3A_231 {dimension_numbers = #tpu.dot_dimension_numbers<[1], [0], [0], [1], [0, 0, 1, 1], [], []>, transpose_lhs_hint = false} : vector<144x432xbf16>, vector<432x256xbf16>, vector<144x256xf32> -> vector<144x256xf32>
    %broadcast_in_dim3A_233 = arith.constant 0.000000e+00 : f32
    %broadcast_in_dim3A_234 = vector.broadcast %broadcast_in_dim3A_233 : f32 to vector<144x127xf32>
    %concatenate3A_235 = tpu.concatenate %dot_general3A_232, %add3A_224, %broadcast_in_dim3A_234 in 1 : vector<144x256xf32>, vector<144x1xf32>, vector<144x127xf32> -> vector<144x384xf32>
    %swap3A_236 = arith.constant 864 : index
    %swap3A_237 = arith.constant 0 : index
    %swap3A_238 = vector.load %arg3[%swap3A_236, %swap3A_237] : memref<2304x384xf32, #tpu.memory_space<vmem>>, vector<144x384xf32>
    tpu.vector_store %arg3[%swap3A_236, %swap3A_237], %concatenate3A_235 {strides = array<i32>} : memref<2304x384xf32, #tpu.memory_space<vmem>>, vector<144x384xf32>,
    %slice3A_239 = vector.extract_strided_slice %get3A_1 {offsets = [1008, 0], sizes = [144, 64], strides = [1, 1]} : vector<2304x64xf32> to vector<144x64xf32>
    %get3A_240 = arith.constant 1008 : index
    %get3A_241 = arith.constant 0 : index
    %get3A_242 = vector.load %arg4[%get3A_240, %get3A_241] : memref<2592x64xf32, #tpu.memory_space<vmem>>, vector<432x64xf32>
    %dot_general3A_243 = arith.constant dense<0.000000e+00> : vector<144x432xf32>
    %dot_general3A_244 = tpu.matmul %slice3A_239, %get3A_242, %dot_general3A_243 {dimension_numbers = #tpu.dot_dimension_numbers<[1], [1], [0], [0], [0, 0, 1, 0], [], []>, transpose_lhs_hint = false} : vector<144x64xf32>, vector<432x64xf32>, vector<144x432xf32> -> vector<144x432xf32>
    %reduce_max3A_245 = arith.constant dense<0xFF800000> : vector<144xf32>
    %reduce_max3A_246 = vector.multi_reduction <maximumf>, %dot_general3A_244, %reduce_max3A_245 [1] : vector<144x432xf32> to vector<144xf32>
    %broadcast_in_dim3A_247 = vector.shape_cast %reduce_max3A_246 : vector<144xf32> to vector<144x1xf32>
    %sub3A_248 = vector.broadcast %broadcast_in_dim3A_247 : vector<144x1xf32> to vector<144x432xf32>
    %sub3A_249 = arith.subf %dot_general3A_244, %sub3A_248 : vector<144x432xf32>
    %exp3A_250 = math.exp %sub3A_249 : vector<144x432xf32>
    %reduce_sum3A_251 = arith.constant dense<0.000000e+00> : vector<144xf32>
    %reduce_sum3A_252 = vector.multi_reduction <add>, %exp3A_250, %reduce_sum3A_251 [1] : vector<144x432xf32> to vector<144xf32>
    %broadcast_in_dim3A_253 = vector.shape_cast %reduce_sum3A_252 : vector<144xf32> to vector<144x1xf32>
    %log3A_254 = math.log %broadcast_in_dim3A_253 : vector<144x1xf32>
    %add3A_255 = arith.addf %broadcast_in_dim3A_247, %log3A_254 : vector<144x1xf32>
    %div3A_256 = vector.broadcast %broadcast_in_dim3A_253 : vector<144x1xf32> to vector<144x432xf32>
    %div3A_257 = arith.divf %exp3A_250, %div3A_256 : vector<144x432xf32>
    %convert_element_type3A_258 = arith.truncf %div3A_257 : vector<144x432xf32> to vector<144x432xbf16>
    %get3A_259 = arith.constant 1008 : index
    %get3A_260 = arith.constant 0 : index
    %get3A_261 = vector.load %arg5[%get3A_259, %get3A_260] : memref<2592x256xbf16, #tpu.memory_space<vmem>>, vector<432x256xbf16>
    %dot_general3A_262 = arith.constant dense<0.000000e+00> : vector<144x256xf32>
    %dot_general3A_263 = tpu.matmul %convert_element_type3A_258, %get3A_261, %dot_general3A_262 {dimension_numbers = #tpu.dot_dimension_numbers<[1], [0], [0], [1], [0, 0, 1, 1], [], []>, transpose_lhs_hint = false} : vector<144x432xbf16>, vector<432x256xbf16>, vector<144x256xf32> -> vector<144x256xf32>
    %broadcast_in_dim3A_264 = arith.constant 0.000000e+00 : f32
    %broadcast_in_dim3A_265 = vector.broadcast %broadcast_in_dim3A_264 : f32 to vector<144x127xf32>
    %concatenate3A_266 = tpu.concatenate %dot_general3A_263, %add3A_255, %broadcast_in_dim3A_265 in 1 : vector<144x256xf32>, vector<144x1xf32>, vector<144x127xf32> -> vector<144x384xf32>
    %swap3A_267 = arith.constant 1008 : index
    %swap3A_268 = arith.constant 0 : index
    %swap3A_269 = vector.load %arg3[%swap3A_267, %swap3A_268] : memref<2304x384xf32, #tpu.memory_space<vmem>>, vector<144x384xf32>
    tpu.vector_store %arg3[%swap3A_267, %swap3A_268], %concatenate3A_266 {strides = array<i32>} : memref<2304x384xf32, #tpu.memory_space<vmem>>, vector<144x384xf32>,
    %slice3A_270 = vector.extract_strided_slice %get3A_1 {offsets = [1152, 0], sizes = [144, 64], strides = [1, 1]} : vector<2304x64xf32> to vector<144x64xf32>
    %get3A_271 = arith.constant 1152 : index
    %get3A_272 = arith.constant 0 : index
    %get3A_273 = vector.load %arg4[%get3A_271, %get3A_272] : memref<2592x64xf32, #tpu.memory_space<vmem>>, vector<432x64xf32>
    %dot_general3A_274 = arith.constant dense<0.000000e+00> : vector<144x432xf32>
    %dot_general3A_275 = tpu.matmul %slice3A_270, %get3A_273, %dot_general3A_274 {dimension_numbers = #tpu.dot_dimension_numbers<[1], [1], [0], [0], [0, 0, 1, 0], [], []>, transpose_lhs_hint = false} : vector<144x64xf32>, vector<432x64xf32>, vector<144x432xf32> -> vector<144x432xf32>
    %reduce_max3A_276 = arith.constant dense<0xFF800000> : vector<144xf32>
    %reduce_max3A_277 = vector.multi_reduction <maximumf>, %dot_general3A_275, %reduce_max3A_276 [1] : vector<144x432xf32> to vector<144xf32>
    %broadcast_in_dim3A_278 = vector.shape_cast %reduce_max3A_277 : vector<144xf32> to vector<144x1xf32>
    %sub3A_279 = vector.broadcast %broadcast_in_dim3A_278 : vector<144x1xf32> to vector<144x432xf32>
    %sub3A_280 = arith.subf %dot_general3A_275, %sub3A_279 : vector<144x432xf32>
    %exp3A_281 = math.exp %sub3A_280 : vector<144x432xf32>
    %reduce_sum3A_282 = arith.constant dense<0.000000e+00> : vector<144xf32>
    %reduce_sum3A_283 = vector.multi_reduction <add>, %exp3A_281, %reduce_sum3A_282 [1] : vector<144x432xf32> to vector<144xf32>
    %broadcast_in_dim3A_284 = vector.shape_cast %reduce_sum3A_283 : vector<144xf32> to vector<144x1xf32>
    %log3A_285 = math.log %broadcast_in_dim3A_284 : vector<144x1xf32>
    %add3A_286 = arith.addf %broadcast_in_dim3A_278, %log3A_285 : vector<144x1xf32>
    %div3A_287 = vector.broadcast %broadcast_in_dim3A_284 : vector<144x1xf32> to vector<144x432xf32>
    %div3A_288 = arith.divf %exp3A_281, %div3A_287 : vector<144x432xf32>
    %convert_element_type3A_289 = arith.truncf %div3A_288 : vector<144x432xf32> to vector<144x432xbf16>
    %get3A_290 = arith.constant 1152 : index
    %get3A_291 = arith.constant 0 : index
    %get3A_292 = vector.load %arg5[%get3A_290, %get3A_291] : memref<2592x256xbf16, #tpu.memory_space<vmem>>, vector<432x256xbf16>
    %dot_general3A_293 = arith.constant dense<0.000000e+00> : vector<144x256xf32>
    %dot_general3A_294 = tpu.matmul %convert_element_type3A_289, %get3A_292, %dot_general3A_293 {dimension_numbers = #tpu.dot_dimension_numbers<[1], [0], [0], [1], [0, 0, 1, 1], [], []>, transpose_lhs_hint = false} : vector<144x432xbf16>, vector<432x256xbf16>, vector<144x256xf32> -> vector<144x256xf32>
    %broadcast_in_dim3A_295 = arith.constant 0.000000e+00 : f32
    %broadcast_in_dim3A_296 = vector.broadcast %broadcast_in_dim3A_295 : f32 to vector<144x127xf32>
    %concatenate3A_297 = tpu.concatenate %dot_general3A_294, %add3A_286, %broadcast_in_dim3A_296 in 1 : vector<144x256xf32>, vector<144x1xf32>, vector<144x127xf32> -> vector<144x384xf32>
    %swap3A_298 = arith.constant 1152 : index
    %swap3A_299 = arith.constant 0 : index
    %swap3A_300 = vector.load %arg3[%swap3A_298, %swap3A_299] : memref<2304x384xf32, #tpu.memory_space<vmem>>, vector<144x384xf32>
    tpu.vector_store %arg3[%swap3A_298, %swap3A_299], %concatenate3A_297 {strides = array<i32>} : memref<2304x384xf32, #tpu.memory_space<vmem>>, vector<144x384xf32>,
    %slice3A_301 = vector.extract_strided_slice %get3A_1 {offsets = [1296, 0], sizes = [144, 64], strides = [1, 1]} : vector<2304x64xf32> to vector<144x64xf32>
    %get3A_302 = arith.constant 1296 : index
    %get3A_303 = arith.constant 0 : index
    %get3A_304 = vector.load %arg4[%get3A_302, %get3A_303] : memref<2592x64xf32, #tpu.memory_space<vmem>>, vector<432x64xf32>
    %dot_general3A_305 = arith.constant dense<0.000000e+00> : vector<144x432xf32>
    %dot_general3A_306 = tpu.matmul %slice3A_301, %get3A_304, %dot_general3A_305 {dimension_numbers = #tpu.dot_dimension_numbers<[1], [1], [0], [0], [0, 0, 1, 0], [], []>, transpose_lhs_hint = false} : vector<144x64xf32>, vector<432x64xf32>, vector<144x432xf32> -> vector<144x432xf32>
    %reduce_max3A_307 = arith.constant dense<0xFF800000> : vector<144xf32>
    %reduce_max3A_308 = vector.multi_reduction <maximumf>, %dot_general3A_306, %reduce_max3A_307 [1] : vector<144x432xf32> to vector<144xf32>
    %broadcast_in_dim3A_309 = vector.shape_cast %reduce_max3A_308 : vector<144xf32> to vector<144x1xf32>
    %sub3A_310 = vector.broadcast %broadcast_in_dim3A_309 : vector<144x1xf32> to vector<144x432xf32>
    %sub3A_311 = arith.subf %dot_general3A_306, %sub3A_310 : vector<144x432xf32>
    %exp3A_312 = math.exp %sub3A_311 : vector<144x432xf32>
    %reduce_sum3A_313 = arith.constant dense<0.000000e+00> : vector<144xf32>
    %reduce_sum3A_314 = vector.multi_reduction <add>, %exp3A_312, %reduce_sum3A_313 [1] : vector<144x432xf32> to vector<144xf32>
    %broadcast_in_dim3A_315 = vector.shape_cast %reduce_sum3A_314 : vector<144xf32> to vector<144x1xf32>
    %log3A_316 = math.log %broadcast_in_dim3A_315 : vector<144x1xf32>
    %add3A_317 = arith.addf %broadcast_in_dim3A_309, %log3A_316 : vector<144x1xf32>
    %div3A_318 = vector.broadcast %broadcast_in_dim3A_315 : vector<144x1xf32> to vector<144x432xf32>
    %div3A_319 = arith.divf %exp3A_312, %div3A_318 : vector<144x432xf32>
    %convert_element_type3A_320 = arith.truncf %div3A_319 : vector<144x432xf32> to vector<144x432xbf16>
    %get3A_321 = arith.constant 1296 : index
    %get3A_322 = arith.constant 0 : index
    %get3A_323 = vector.load %arg5[%get3A_321, %get3A_322] : memref<2592x256xbf16, #tpu.memory_space<vmem>>, vector<432x256xbf16>
    %dot_general3A_324 = arith.constant dense<0.000000e+00> : vector<144x256xf32>
    %dot_general3A_325 = tpu.matmul %convert_element_type3A_320, %get3A_323, %dot_general3A_324 {dimension_numbers = #tpu.dot_dimension_numbers<[1], [0], [0], [1], [0, 0, 1, 1], [], []>, transpose_lhs_hint = false} : vector<144x432xbf16>, vector<432x256xbf16>, vector<144x256xf32> -> vector<144x256xf32>
    %broadcast_in_dim3A_326 = arith.constant 0.000000e+00 : f32
    %broadcast_in_dim3A_327 = vector.broadcast %broadcast_in_dim3A_326 : f32 to vector<144x127xf32>
    %concatenate3A_328 = tpu.concatenate %dot_general3A_325, %add3A_317, %broadcast_in_dim3A_327 in 1 : vector<144x256xf32>, vector<144x1xf32>, vector<144x127xf32> -> vector<144x384xf32>
    %swap3A_329 = arith.constant 1296 : index
    %swap3A_330 = arith.constant 0 : index
    %swap3A_331 = vector.load %arg3[%swap3A_329, %swap3A_330] : memref<2304x384xf32, #tpu.memory_space<vmem>>, vector<144x384xf32>
    tpu.vector_store %arg3[%swap3A_329, %swap3A_330], %concatenate3A_328 {strides = array<i32>} : memref<2304x384xf32, #tpu.memory_space<vmem>>, vector<144x384xf32>,
    %slice3A_332 = vector.extract_strided_slice %get3A_1 {offsets = [1440, 0], sizes = [144, 64], strides = [1, 1]} : vector<2304x64xf32> to vector<144x64xf32>
    %get3A_333 = arith.constant 1440 : index
    %get3A_334 = arith.constant 0 : index
    %get3A_335 = vector.load %arg4[%get3A_333, %get3A_334] : memref<2592x64xf32, #tpu.memory_space<vmem>>, vector<432x64xf32>
    %dot_general3A_336 = arith.constant dense<0.000000e+00> : vector<144x432xf32>
    %dot_general3A_337 = tpu.matmul %slice3A_332, %get3A_335, %dot_general3A_336 {dimension_numbers = #tpu.dot_dimension_numbers<[1], [1], [0], [0], [0, 0, 1, 0], [], []>, transpose_lhs_hint = false} : vector<144x64xf32>, vector<432x64xf32>, vector<144x432xf32> -> vector<144x432xf32>
    %reduce_max3A_338 = arith.constant dense<0xFF800000> : vector<144xf32>
    %reduce_max3A_339 = vector.multi_reduction <maximumf>, %dot_general3A_337, %reduce_max3A_338 [1] : vector<144x432xf32> to vector<144xf32>
    %broadcast_in_dim3A_340 = vector.shape_cast %reduce_max3A_339 : vector<144xf32> to vector<144x1xf32>
    %sub3A_341 = vector.broadcast %broadcast_in_dim3A_340 : vector<144x1xf32> to vector<144x432xf32>
    %sub3A_342 = arith.subf %dot_general3A_337, %sub3A_341 : vector<144x432xf32>
    %exp3A_343 = math.exp %sub3A_342 : vector<144x432xf32>
    %reduce_sum3A_344 = arith.constant dense<0.000000e+00> : vector<144xf32>
    %reduce_sum3A_345 = vector.multi_reduction <add>, %exp3A_343, %reduce_sum3A_344 [1] : vector<144x432xf32> to vector<144xf32>
    %broadcast_in_dim3A_346 = vector.shape_cast %reduce_sum3A_345 : vector<144xf32> to vector<144x1xf32>
    %log3A_347 = math.log %broadcast_in_dim3A_346 : vector<144x1xf32>
    %add3A_348 = arith.addf %broadcast_in_dim3A_340, %log3A_347 : vector<144x1xf32>
    %div3A_349 = vector.broadcast %broadcast_in_dim3A_346 : vector<144x1xf32> to vector<144x432xf32>
    %div3A_350 = arith.divf %exp3A_343, %div3A_349 : vector<144x432xf32>
    %convert_element_type3A_351 = arith.truncf %div3A_350 : vector<144x432xf32> to vector<144x432xbf16>
    %get3A_352 = arith.constant 1440 : index
    %get3A_353 = arith.constant 0 : index
    %get3A_354 = vector.load %arg5[%get3A_352, %get3A_353] : memref<2592x256xbf16, #tpu.memory_space<vmem>>, vector<432x256xbf16>
    %dot_general3A_355 = arith.constant dense<0.000000e+00> : vector<144x256xf32>
    %dot_general3A_356 = tpu.matmul %convert_element_type3A_351, %get3A_354, %dot_general3A_355 {dimension_numbers = #tpu.dot_dimension_numbers<[1], [0], [0], [1], [0, 0, 1, 1], [], []>, transpose_lhs_hint = false} : vector<144x432xbf16>, vector<432x256xbf16>, vector<144x256xf32> -> vector<144x256xf32>
    %broadcast_in_dim3A_357 = arith.constant 0.000000e+00 : f32
    %broadcast_in_dim3A_358 = vector.broadcast %broadcast_in_dim3A_357 : f32 to vector<144x127xf32>
    %concatenate3A_359 = tpu.concatenate %dot_general3A_356, %add3A_348, %broadcast_in_dim3A_358 in 1 : vector<144x256xf32>, vector<144x1xf32>, vector<144x127xf32> -> vector<144x384xf32>
    %swap3A_360 = arith.constant 1440 : index
    %swap3A_361 = arith.constant 0 : index
    %swap3A_362 = vector.load %arg3[%swap3A_360, %swap3A_361] : memref<2304x384xf32, #tpu.memory_space<vmem>>, vector<144x384xf32>
    tpu.vector_store %arg3[%swap3A_360, %swap3A_361], %concatenate3A_359 {strides = array<i32>} : memref<2304x384xf32, #tpu.memory_space<vmem>>, vector<144x384xf32>,
    %slice3A_363 = vector.extract_strided_slice %get3A_1 {offsets = [1584, 0], sizes = [144, 64], strides = [1, 1]} : vector<2304x64xf32> to vector<144x64xf32>
    %get3A_364 = arith.constant 1584 : index
    %get3A_365 = arith.constant 0 : index
    %get3A_366 = vector.load %arg4[%get3A_364, %get3A_365] : memref<2592x64xf32, #tpu.memory_space<vmem>>, vector<432x64xf32>
    %dot_general3A_367 = arith.constant dense<0.000000e+00> : vector<144x432xf32>
    %dot_general3A_368 = tpu.matmul %slice3A_363, %get3A_366, %dot_general3A_367 {dimension_numbers = #tpu.dot_dimension_numbers<[1], [1], [0], [0], [0, 0, 1, 0], [], []>, transpose_lhs_hint = false} : vector<144x64xf32>, vector<432x64xf32>, vector<144x432xf32> -> vector<144x432xf32>
    %reduce_max3A_369 = arith.constant dense<0xFF800000> : vector<144xf32>
    %reduce_max3A_370 = vector.multi_reduction <maximumf>, %dot_general3A_368, %reduce_max3A_369 [1] : vector<144x432xf32> to vector<144xf32>
    %broadcast_in_dim3A_371 = vector.shape_cast %reduce_max3A_370 : vector<144xf32> to vector<144x1xf32>
    %sub3A_372 = vector.broadcast %broadcast_in_dim3A_371 : vector<144x1xf32> to vector<144x432xf32>
    %sub3A_373 = arith.subf %dot_general3A_368, %sub3A_372 : vector<144x432xf32>
    %exp3A_374 = math.exp %sub3A_373 : vector<144x432xf32>
    %reduce_sum3A_375 = arith.constant dense<0.000000e+00> : vector<144xf32>
    %reduce_sum3A_376 = vector.multi_reduction <add>, %exp3A_374, %reduce_sum3A_375 [1] : vector<144x432xf32> to vector<144xf32>
    %broadcast_in_dim3A_377 = vector.shape_cast %reduce_sum3A_376 : vector<144xf32> to vector<144x1xf32>
    %log3A_378 = math.log %broadcast_in_dim3A_377 : vector<144x1xf32>
    %add3A_379 = arith.addf %broadcast_in_dim3A_371, %log3A_378 : vector<144x1xf32>
    %div3A_380 = vector.broadcast %broadcast_in_dim3A_377 : vector<144x1xf32> to vector<144x432xf32>
    %div3A_381 = arith.divf %exp3A_374, %div3A_380 : vector<144x432xf32>
    %convert_element_type3A_382 = arith.truncf %div3A_381 : vector<144x432xf32> to vector<144x432xbf16>
    %get3A_383 = arith.constant 1584 : index
    %get3A_384 = arith.constant 0 : index
    %get3A_385 = vector.load %arg5[%get3A_383, %get3A_384] : memref<2592x256xbf16, #tpu.memory_space<vmem>>, vector<432x256xbf16>
    %dot_general3A_386 = arith.constant dense<0.000000e+00> : vector<144x256xf32>
    %dot_general3A_387 = tpu.matmul %convert_element_type3A_382, %get3A_385, %dot_general3A_386 {dimension_numbers = #tpu.dot_dimension_numbers<[1], [0], [0], [1], [0, 0, 1, 1], [], []>, transpose_lhs_hint = false} : vector<144x432xbf16>, vector<432x256xbf16>, vector<144x256xf32> -> vector<144x256xf32>
    %broadcast_in_dim3A_388 = arith.constant 0.000000e+00 : f32
    %broadcast_in_dim3A_389 = vector.broadcast %broadcast_in_dim3A_388 : f32 to vector<144x127xf32>
    %concatenate3A_390 = tpu.concatenate %dot_general3A_387, %add3A_379, %broadcast_in_dim3A_389 in 1 : vector<144x256xf32>, vector<144x1xf32>, vector<144x127xf32> -> vector<144x384xf32>
    %swap3A_391 = arith.constant 1584 : index
    %swap3A_392 = arith.constant 0 : index
    %swap3A_393 = vector.load %arg3[%swap3A_391, %swap3A_392] : memref<2304x384xf32, #tpu.memory_space<vmem>>, vector<144x384xf32>
    tpu.vector_store %arg3[%swap3A_391, %swap3A_392], %concatenate3A_390 {strides = array<i32>} : memref<2304x384xf32, #tpu.memory_space<vmem>>, vector<144x384xf32>,
    %slice3A_394 = vector.extract_strided_slice %get3A_1 {offsets = [1728, 0], sizes = [144, 64], strides = [1, 1]} : vector<2304x64xf32> to vector<144x64xf32>
    %get3A_395 = arith.constant 1728 : index
    %get3A_396 = arith.constant 0 : index
    %get3A_397 = vector.load %arg4[%get3A_395, %get3A_396] : memref<2592x64xf32, #tpu.memory_space<vmem>>, vector<432x64xf32>
    %dot_general3A_398 = arith.constant dense<0.000000e+00> : vector<144x432xf32>
    %dot_general3A_399 = tpu.matmul %slice3A_394, %get3A_397, %dot_general3A_398 {dimension_numbers = #tpu.dot_dimension_numbers<[1], [1], [0], [0], [0, 0, 1, 0], [], []>, transpose_lhs_hint = false} : vector<144x64xf32>, vector<432x64xf32>, vector<144x432xf32> -> vector<144x432xf32>
    %reduce_max3A_400 = arith.constant dense<0xFF800000> : vector<144xf32>
    %reduce_max3A_401 = vector.multi_reduction <maximumf>, %dot_general3A_399, %reduce_max3A_400 [1] : vector<144x432xf32> to vector<144xf32>
    %broadcast_in_dim3A_402 = vector.shape_cast %reduce_max3A_401 : vector<144xf32> to vector<144x1xf32>
    %sub3A_403 = vector.broadcast %broadcast_in_dim3A_402 : vector<144x1xf32> to vector<144x432xf32>
    %sub3A_404 = arith.subf %dot_general3A_399, %sub3A_403 : vector<144x432xf32>
    %exp3A_405 = math.exp %sub3A_404 : vector<144x432xf32>
    %reduce_sum3A_406 = arith.constant dense<0.000000e+00> : vector<144xf32>
    %reduce_sum3A_407 = vector.multi_reduction <add>, %exp3A_405, %reduce_sum3A_406 [1] : vector<144x432xf32> to vector<144xf32>
    %broadcast_in_dim3A_408 = vector.shape_cast %reduce_sum3A_407 : vector<144xf32> to vector<144x1xf32>
    %log3A_409 = math.log %broadcast_in_dim3A_408 : vector<144x1xf32>
    %add3A_410 = arith.addf %broadcast_in_dim3A_402, %log3A_409 : vector<144x1xf32>
    %div3A_411 = vector.broadcast %broadcast_in_dim3A_408 : vector<144x1xf32> to vector<144x432xf32>
    %div3A_412 = arith.divf %exp3A_405, %div3A_411 : vector<144x432xf32>
    %convert_element_type3A_413 = arith.truncf %div3A_412 : vector<144x432xf32> to vector<144x432xbf16>
    %get3A_414 = arith.constant 1728 : index
    %get3A_415 = arith.constant 0 : index
    %get3A_416 = vector.load %arg5[%get3A_414, %get3A_415] : memref<2592x256xbf16, #tpu.memory_space<vmem>>, vector<432x256xbf16>
    %dot_general3A_417 = arith.constant dense<0.000000e+00> : vector<144x256xf32>
    %dot_general3A_418 = tpu.matmul %convert_element_type3A_413, %get3A_416, %dot_general3A_417 {dimension_numbers = #tpu.dot_dimension_numbers<[1], [0], [0], [1], [0, 0, 1, 1], [], []>, transpose_lhs_hint = false} : vector<144x432xbf16>, vector<432x256xbf16>, vector<144x256xf32> -> vector<144x256xf32>
    %broadcast_in_dim3A_419 = arith.constant 0.000000e+00 : f32
    %broadcast_in_dim3A_420 = vector.broadcast %broadcast_in_dim3A_419 : f32 to vector<144x127xf32>
    %concatenate3A_421 = tpu.concatenate %dot_general3A_418, %add3A_410, %broadcast_in_dim3A_420 in 1 : vector<144x256xf32>, vector<144x1xf32>, vector<144x127xf32> -> vector<144x384xf32>
    %swap3A_422 = arith.constant 1728 : index
    %swap3A_423 = arith.constant 0 : index
    %swap3A_424 = vector.load %arg3[%swap3A_422, %swap3A_423] : memref<2304x384xf32, #tpu.memory_space<vmem>>, vector<144x384xf32>
    tpu.vector_store %arg3[%swap3A_422, %swap3A_423], %concatenate3A_421 {strides = array<i32>} : memref<2304x384xf32, #tpu.memory_space<vmem>>, vector<144x384xf32>,
    %slice3A_425 = vector.extract_strided_slice %get3A_1 {offsets = [1872, 0], sizes = [144, 64], strides = [1, 1]} : vector<2304x64xf32> to vector<144x64xf32>
    %get3A_426 = arith.constant 1872 : index
    %get3A_427 = arith.constant 0 : index
    %get3A_428 = vector.load %arg4[%get3A_426, %get3A_427] : memref<2592x64xf32, #tpu.memory_space<vmem>>, vector<432x64xf32>
    %dot_general3A_429 = arith.constant dense<0.000000e+00> : vector<144x432xf32>
    %dot_general3A_430 = tpu.matmul %slice3A_425, %get3A_428, %dot_general3A_429 {dimension_numbers = #tpu.dot_dimension_numbers<[1], [1], [0], [0], [0, 0, 1, 0], [], []>, transpose_lhs_hint = false} : vector<144x64xf32>, vector<432x64xf32>, vector<144x432xf32> -> vector<144x432xf32>
    %reduce_max3A_431 = arith.constant dense<0xFF800000> : vector<144xf32>
    %reduce_max3A_432 = vector.multi_reduction <maximumf>, %dot_general3A_430, %reduce_max3A_431 [1] : vector<144x432xf32> to vector<144xf32>
    %broadcast_in_dim3A_433 = vector.shape_cast %reduce_max3A_432 : vector<144xf32> to vector<144x1xf32>
    %sub3A_434 = vector.broadcast %broadcast_in_dim3A_433 : vector<144x1xf32> to vector<144x432xf32>
    %sub3A_435 = arith.subf %dot_general3A_430, %sub3A_434 : vector<144x432xf32>
    %exp3A_436 = math.exp %sub3A_435 : vector<144x432xf32>
    %reduce_sum3A_437 = arith.constant dense<0.000000e+00> : vector<144xf32>
    %reduce_sum3A_438 = vector.multi_reduction <add>, %exp3A_436, %reduce_sum3A_437 [1] : vector<144x432xf32> to vector<144xf32>
    %broadcast_in_dim3A_439 = vector.shape_cast %reduce_sum3A_438 : vector<144xf32> to vector<144x1xf32>
    %log3A_440 = math.log %broadcast_in_dim3A_439 : vector<144x1xf32>
    %add3A_441 = arith.addf %broadcast_in_dim3A_433, %log3A_440 : vector<144x1xf32>
    %div3A_442 = vector.broadcast %broadcast_in_dim3A_439 : vector<144x1xf32> to vector<144x432xf32>
    %div3A_443 = arith.divf %exp3A_436, %div3A_442 : vector<144x432xf32>
    %convert_element_type3A_444 = arith.truncf %div3A_443 : vector<144x432xf32> to vector<144x432xbf16>
    %get3A_445 = arith.constant 1872 : index
    %get3A_446 = arith.constant 0 : index
    %get3A_447 = vector.load %arg5[%get3A_445, %get3A_446] : memref<2592x256xbf16, #tpu.memory_space<vmem>>, vector<432x256xbf16>
    %dot_general3A_448 = arith.constant dense<0.000000e+00> : vector<144x256xf32>
    %dot_general3A_449 = tpu.matmul %convert_element_type3A_444, %get3A_447, %dot_general3A_448 {dimension_numbers = #tpu.dot_dimension_numbers<[1], [0], [0], [1], [0, 0, 1, 1], [], []>, transpose_lhs_hint = false} : vector<144x432xbf16>, vector<432x256xbf16>, vector<144x256xf32> -> vector<144x256xf32>
    %broadcast_in_dim3A_450 = arith.constant 0.000000e+00 : f32
    %broadcast_in_dim3A_451 = vector.broadcast %broadcast_in_dim3A_450 : f32 to vector<144x127xf32>
    %concatenate3A_452 = tpu.concatenate %dot_general3A_449, %add3A_441, %broadcast_in_dim3A_451 in 1 : vector<144x256xf32>, vector<144x1xf32>, vector<144x127xf32> -> vector<144x384xf32>
    %swap3A_453 = arith.constant 1872 : index
    %swap3A_454 = arith.constant 0 : index
    %swap3A_455 = vector.load %arg3[%swap3A_453, %swap3A_454] : memref<2304x384xf32, #tpu.memory_space<vmem>>, vector<144x384xf32>
    tpu.vector_store %arg3[%swap3A_453, %swap3A_454], %concatenate3A_452 {strides = array<i32>} : memref<2304x384xf32, #tpu.memory_space<vmem>>, vector<144x384xf32>,
    %slice3A_456 = vector.extract_strided_slice %get3A_1 {offsets = [2016, 0], sizes = [144, 64], strides = [1, 1]} : vector<2304x64xf32> to vector<144x64xf32>
    %get3A_457 = arith.constant 2016 : index
    %get3A_458 = arith.constant 0 : index
    %get3A_459 = vector.load %arg4[%get3A_457, %get3A_458] : memref<2592x64xf32, #tpu.memory_space<vmem>>, vector<432x64xf32>
    %dot_general3A_460 = arith.constant dense<0.000000e+00> : vector<144x432xf32>
    %dot_general3A_461 = tpu.matmul %slice3A_456, %get3A_459, %dot_general3A_460 {dimension_numbers = #tpu.dot_dimension_numbers<[1], [1], [0], [0], [0, 0, 1, 0], [], []>, transpose_lhs_hint = false} : vector<144x64xf32>, vector<432x64xf32>, vector<144x432xf32> -> vector<144x432xf32>
    %reduce_max3A_462 = arith.constant dense<0xFF800000> : vector<144xf32>
    %reduce_max3A_463 = vector.multi_reduction <maximumf>, %dot_general3A_461, %reduce_max3A_462 [1] : vector<144x432xf32> to vector<144xf32>
    %broadcast_in_dim3A_464 = vector.shape_cast %reduce_max3A_463 : vector<144xf32> to vector<144x1xf32>
    %sub3A_465 = vector.broadcast %broadcast_in_dim3A_464 : vector<144x1xf32> to vector<144x432xf32>
    %sub3A_466 = arith.subf %dot_general3A_461, %sub3A_465 : vector<144x432xf32>
    %exp3A_467 = math.exp %sub3A_466 : vector<144x432xf32>
    %reduce_sum3A_468 = arith.constant dense<0.000000e+00> : vector<144xf32>
    %reduce_sum3A_469 = vector.multi_reduction <add>, %exp3A_467, %reduce_sum3A_468 [1] : vector<144x432xf32> to vector<144xf32>
    %broadcast_in_dim3A_470 = vector.shape_cast %reduce_sum3A_469 : vector<144xf32> to vector<144x1xf32>
    %log3A_471 = math.log %broadcast_in_dim3A_470 : vector<144x1xf32>
    %add3A_472 = arith.addf %broadcast_in_dim3A_464, %log3A_471 : vector<144x1xf32>
    %div3A_473 = vector.broadcast %broadcast_in_dim3A_470 : vector<144x1xf32> to vector<144x432xf32>
    %div3A_474 = arith.divf %exp3A_467, %div3A_473 : vector<144x432xf32>
    %convert_element_type3A_475 = arith.truncf %div3A_474 : vector<144x432xf32> to vector<144x432xbf16>
    %get3A_476 = arith.constant 2016 : index
    %get3A_477 = arith.constant 0 : index
    %get3A_478 = vector.load %arg5[%get3A_476, %get3A_477] : memref<2592x256xbf16, #tpu.memory_space<vmem>>, vector<432x256xbf16>
    %dot_general3A_479 = arith.constant dense<0.000000e+00> : vector<144x256xf32>
    %dot_general3A_480 = tpu.matmul %convert_element_type3A_475, %get3A_478, %dot_general3A_479 {dimension_numbers = #tpu.dot_dimension_numbers<[1], [0], [0], [1], [0, 0, 1, 1], [], []>, transpose_lhs_hint = false} : vector<144x432xbf16>, vector<432x256xbf16>, vector<144x256xf32> -> vector<144x256xf32>
    %broadcast_in_dim3A_481 = arith.constant 0.000000e+00 : f32
    %broadcast_in_dim3A_482 = vector.broadcast %broadcast_in_dim3A_481 : f32 to vector<144x127xf32>
    %concatenate3A_483 = tpu.concatenate %dot_general3A_480, %add3A_472, %broadcast_in_dim3A_482 in 1 : vector<144x256xf32>, vector<144x1xf32>, vector<144x127xf32> -> vector<144x384xf32>
    %swap3A_484 = arith.constant 2016 : index
    %swap3A_485 = arith.constant 0 : index
    %swap3A_486 = vector.load %arg3[%swap3A_484, %swap3A_485] : memref<2304x384xf32, #tpu.memory_space<vmem>>, vector<144x384xf32>
    tpu.vector_store %arg3[%swap3A_484, %swap3A_485], %concatenate3A_483 {strides = array<i32>} : memref<2304x384xf32, #tpu.memory_space<vmem>>, vector<144x384xf32>,
    %slice3A_487 = vector.extract_strided_slice %get3A_1 {offsets = [2160, 0], sizes = [144, 64], strides = [1, 1]} : vector<2304x64xf32> to vector<144x64xf32>
    %get3A_488 = arith.constant 2160 : index
    %get3A_489 = arith.constant 0 : index
    %get3A_490 = vector.load %arg4[%get3A_488, %get3A_489] : memref<2592x64xf32, #tpu.memory_space<vmem>>, vector<432x64xf32>
    %dot_general3A_491 = arith.constant dense<0.000000e+00> : vector<144x432xf32>
    %dot_general3A_492 = tpu.matmul %slice3A_487, %get3A_490, %dot_general3A_491 {dimension_numbers = #tpu.dot_dimension_numbers<[1], [1], [0], [0], [0, 0, 1, 0], [], []>, transpose_lhs_hint = false} : vector<144x64xf32>, vector<432x64xf32>, vector<144x432xf32> -> vector<144x432xf32>
    %reduce_max3A_493 = arith.constant dense<0xFF800000> : vector<144xf32>
    %reduce_max3A_494 = vector.multi_reduction <maximumf>, %dot_general3A_492, %reduce_max3A_493 [1] : vector<144x432xf32> to vector<144xf32>
    %broadcast_in_dim3A_495 = vector.shape_cast %reduce_max3A_494 : vector<144xf32> to vector<144x1xf32>
    %sub3A_496 = vector.broadcast %broadcast_in_dim3A_495 : vector<144x1xf32> to vector<144x432xf32>
    %sub3A_497 = arith.subf %dot_general3A_492, %sub3A_496 : vector<144x432xf32>
    %exp3A_498 = math.exp %sub3A_497 : vector<144x432xf32>
    %reduce_sum3A_499 = arith.constant dense<0.000000e+00> : vector<144xf32>
    %reduce_sum3A_500 = vector.multi_reduction <add>, %exp3A_498, %reduce_sum3A_499 [1] : vector<144x432xf32> to vector<144xf32>
    %broadcast_in_dim3A_501 = vector.shape_cast %reduce_sum3A_500 : vector<144xf32> to vector<144x1xf32>
    %log3A_502 = math.log %broadcast_in_dim3A_501 : vector<144x1xf32>
    %add3A_503 = arith.addf %broadcast_in_dim3A_495, %log3A_502 : vector<144x1xf32>
    %div3A_504 = vector.broadcast %broadcast_in_dim3A_501 : vector<144x1xf32> to vector<144x432xf32>
    %div3A_505 = arith.divf %exp3A_498, %div3A_504 : vector<144x432xf32>
    %convert_element_type3A_506 = arith.truncf %div3A_505 : vector<144x432xf32> to vector<144x432xbf16>
    %get3A_507 = arith.constant 2160 : index
    %get3A_508 = arith.constant 0 : index
    %get3A_509 = vector.load %arg5[%get3A_507, %get3A_508] : memref<2592x256xbf16, #tpu.memory_space<vmem>>, vector<432x256xbf16>
    %dot_general3A_510 = arith.constant dense<0.000000e+00> : vector<144x256xf32>
    %dot_general3A_511 = tpu.matmul %convert_element_type3A_506, %get3A_509, %dot_general3A_510 {dimension_numbers = #tpu.dot_dimension_numbers<[1], [0], [0], [1], [0, 0, 1, 1], [], []>, transpose_lhs_hint = false} : vector<144x432xbf16>, vector<432x256xbf16>, vector<144x256xf32> -> vector<144x256xf32>
    %broadcast_in_dim3A_512 = arith.constant 0.000000e+00 : f32
    %broadcast_in_dim3A_513 = vector.broadcast %broadcast_in_dim3A_512 : f32 to vector<144x127xf32>
    %concatenate3A_514 = tpu.concatenate %dot_general3A_511, %add3A_503, %broadcast_in_dim3A_513 in 1 : vector<144x256xf32>, vector<144x1xf32>, vector<144x127xf32> -> vector<144x384xf32>
    %swap3A_515 = arith.constant 2160 : index
    %swap3A_516 = arith.constant 0 : index
    %swap3A_517 = vector.load %arg3[%swap3A_515, %swap3A_516] : memref<2304x384xf32, #tpu.memory_space<vmem>>, vector<144x384xf32>
    tpu.vector_store %arg3[%swap3A_515, %swap3A_516], %concatenate3A_514 {strides = array<i32>} : memref<2304x384xf32, #tpu.memory_space<vmem>>, vector<144x384xf32>,
    return
  }
  func.func @transform_0(%arg0: i32) -> (i32, i32) {
    %c0_i32 = arith.constant 0 : i32
    %c0_i32_0 = arith.constant 0 : i32
    return %arg0, %c0_i32 : i32, i32
  }
  func.func @transform_1(%arg0: i32) -> (i32, i32) {
    %c0_i32 = arith.constant 0 : i32
    %c0_i32_0 = arith.constant 0 : i32
    return %arg0, %c0_i32 : i32, i32
  }
  func.func @transform_2(%arg0: i32) -> (i32, i32) {
    %c0_i32 = arith.constant 0 : i32
    %c0_i32_0 = arith.constant 0 : i32
    return %arg0, %c0_i32 : i32, i32
  }
}

module attributes {stable_mosaic.version = 14 : i64} {
  func.func @_comb_body(%arg0: i32, %arg1: i32, %arg2: memref<1x4x256x384xf32, #tpu.memory_space<vmem>>, %arg3: memref<1x256x256xf32, #tpu.memory_space<vmem>>, %arg4: memref<1x256x256xf32, #tpu.memory_space<vmem>>) attributes {dimension_semantics = [#tpu.dimension_semantics<arbitrary>, #tpu.dimension_semantics<arbitrary>], iteration_bounds = array<i64: 4, 9>, scalar_prefetch = 0 : i64, scratch_operands = 0 : i64, tpu.core_type = #tpu.core_type<tc>, window_params = [{transform_indices = @transform_0, window_bounds = array<i64: 1, 4, 256, 384>}, {transform_indices = @transform_1, window_bounds = array<i64: 1, 256, 256>}, {transform_indices = @transform_2, window_bounds = array<i64: 1, 256, 256>}]} {
    %get3A = arith.constant 0 : index
    %get3A_0 = arith.constant 0 : index
    %get3A_1 = arith.constant 0 : index
    %get3A_2 = arith.constant 0 : index
    %get3A_3 = vector.load %arg2[%get3A, %get3A_0, %get3A_1, %get3A_2] : memref<1x4x256x384xf32, #tpu.memory_space<vmem>>, vector<1x4x256x384xf32>
    %get3A_4 = vector.shape_cast %get3A_3 : vector<1x4x256x384xf32> to vector<4x256x384xf32>
    %slice3A = vector.extract_strided_slice %get3A_4 {offsets = [0, 0, 256], sizes = [4, 256, 1], strides = [1, 1, 1]} : vector<4x256x384xf32> to vector<4x256x1xf32>
    %reduce_max3A = arith.constant dense<0xFF800000> : vector<256x1xf32>
    %reduce_max3A_5 = vector.multi_reduction <maximumf>, %slice3A, %reduce_max3A [0] : vector<4x256x1xf32> to vector<256x1xf32>
    %broadcast_in_dim3A = vector.shape_cast %reduce_max3A_5 : vector<256x1xf32> to vector<1x256x1xf32>
    %sub3A = vector.broadcast %broadcast_in_dim3A : vector<1x256x1xf32> to vector<4x256x1xf32>
    %sub3A_6 = arith.subf %slice3A, %sub3A : vector<4x256x1xf32>
    %exp3A = math.exp %sub3A_6 : vector<4x256x1xf32>
    %reduce_sum3A = arith.constant dense<0.000000e+00> : vector<256x1xf32>
    %reduce_sum3A_7 = vector.multi_reduction <add>, %exp3A, %reduce_sum3A [0] : vector<4x256x1xf32> to vector<256x1xf32>
    %broadcast_in_dim3A_8 = vector.shape_cast %reduce_sum3A_7 : vector<256x1xf32> to vector<1x256x1xf32>
    %div3A = vector.broadcast %broadcast_in_dim3A_8 : vector<1x256x1xf32> to vector<4x256x1xf32>
    %div3A_9 = arith.divf %exp3A, %div3A : vector<4x256x1xf32>
    %broadcast_in_dim3A_10 = arith.constant 0.000000e+00 : f32
    %broadcast_in_dim3A_11 = vector.broadcast %broadcast_in_dim3A_10 : f32 to vector<256x256xf32>
    %slice3A_12 = vector.extract_strided_slice %get3A_4 {offsets = [0, 0, 0], sizes = [1, 256, 256], strides = [1, 1, 1]} : vector<4x256x384xf32> to vector<1x256x256xf32>
    %squeeze3A = vector.shape_cast %slice3A_12 : vector<1x256x256xf32> to vector<256x256xf32>
    %slice3A_13 = vector.extract_strided_slice %div3A_9 {offsets = [0, 0, 0], sizes = [1, 256, 1], strides = [1, 1, 1]} : vector<4x256x1xf32> to vector<1x256x1xf32>
    %squeeze3A_14 = vector.shape_cast %slice3A_13 : vector<1x256x1xf32> to vector<256x1xf32>
    %mul3A = vector.broadcast %squeeze3A_14 : vector<256x1xf32> to vector<256x256xf32>
    %mul3A_15 = arith.mulf %squeeze3A, %mul3A : vector<256x256xf32>
    %add3A = arith.addf %broadcast_in_dim3A_11, %mul3A_15 : vector<256x256xf32>
    %slice3A_16 = vector.extract_strided_slice %get3A_4 {offsets = [1, 0, 0], sizes = [1, 256, 256], strides = [1, 1, 1]} : vector<4x256x384xf32> to vector<1x256x256xf32>
    %squeeze3A_17 = vector.shape_cast %slice3A_16 : vector<1x256x256xf32> to vector<256x256xf32>
    %slice3A_18 = vector.extract_strided_slice %div3A_9 {offsets = [1, 0, 0], sizes = [1, 256, 1], strides = [1, 1, 1]} : vector<4x256x1xf32> to vector<1x256x1xf32>
    %squeeze3A_19 = vector.shape_cast %slice3A_18 : vector<1x256x1xf32> to vector<256x1xf32>
    %mul3A_20 = vector.broadcast %squeeze3A_19 : vector<256x1xf32> to vector<256x256xf32>
    %mul3A_21 = arith.mulf %squeeze3A_17, %mul3A_20 : vector<256x256xf32>
    %add3A_22 = arith.addf %add3A, %mul3A_21 : vector<256x256xf32>
    %slice3A_23 = vector.extract_strided_slice %get3A_4 {offsets = [2, 0, 0], sizes = [1, 256, 256], strides = [1, 1, 1]} : vector<4x256x384xf32> to vector<1x256x256xf32>
    %squeeze3A_24 = vector.shape_cast %slice3A_23 : vector<1x256x256xf32> to vector<256x256xf32>
    %slice3A_25 = vector.extract_strided_slice %div3A_9 {offsets = [2, 0, 0], sizes = [1, 256, 1], strides = [1, 1, 1]} : vector<4x256x1xf32> to vector<1x256x1xf32>
    %squeeze3A_26 = vector.shape_cast %slice3A_25 : vector<1x256x1xf32> to vector<256x1xf32>
    %mul3A_27 = vector.broadcast %squeeze3A_26 : vector<256x1xf32> to vector<256x256xf32>
    %mul3A_28 = arith.mulf %squeeze3A_24, %mul3A_27 : vector<256x256xf32>
    %add3A_29 = arith.addf %add3A_22, %mul3A_28 : vector<256x256xf32>
    %slice3A_30 = vector.extract_strided_slice %get3A_4 {offsets = [3, 0, 0], sizes = [1, 256, 256], strides = [1, 1, 1]} : vector<4x256x384xf32> to vector<1x256x256xf32>
    %squeeze3A_31 = vector.shape_cast %slice3A_30 : vector<1x256x256xf32> to vector<256x256xf32>
    %slice3A_32 = vector.extract_strided_slice %div3A_9 {offsets = [3, 0, 0], sizes = [1, 256, 1], strides = [1, 1, 1]} : vector<4x256x1xf32> to vector<1x256x1xf32>
    %squeeze3A_33 = vector.shape_cast %slice3A_32 : vector<1x256x1xf32> to vector<256x1xf32>
    %mul3A_34 = vector.broadcast %squeeze3A_33 : vector<256x1xf32> to vector<256x256xf32>
    %mul3A_35 = arith.mulf %squeeze3A_31, %mul3A_34 : vector<256x256xf32>
    %add3A_36 = arith.addf %add3A_29, %mul3A_35 : vector<256x256xf32>
    %transpose3A = tpu.transpose %add3A_36, [1, 0] : vector<256x256xf32> -> vector<256x256xf32>
    %mul3A_37 = arith.constant 1.000000e-01 : f32
    %mul3A_38 = vector.broadcast %mul3A_37 : f32 to vector<256x256xf32>
    %mul3A_39 = arith.mulf %transpose3A, %mul3A_38 : vector<256x256xf32>
    %get3A_40 = arith.constant 0 : index
    %get3A_41 = arith.constant 0 : index
    %get3A_42 = arith.constant 0 : index
    %get3A_43 = vector.load %arg3[%get3A_40, %get3A_41, %get3A_42] : memref<1x256x256xf32, #tpu.memory_space<vmem>>, vector<1x256x256xf32>
    %get3A_44 = vector.shape_cast %get3A_43 : vector<1x256x256xf32> to vector<256x256xf32>
    %add3A_45 = arith.addf %mul3A_39, %get3A_44 : vector<256x256xf32>
    %swap3A = arith.constant 0 : index
    %swap3A_46 = arith.constant 0 : index
    %swap3A_47 = arith.constant 0 : index
    %swap3A_48 = vector.load %arg4[%swap3A, %swap3A_46, %swap3A_47] : memref<1x256x256xf32, #tpu.memory_space<vmem>>, vector<1x256x256xf32>
    %swap3A_49 = vector.shape_cast %swap3A_48 : vector<1x256x256xf32> to vector<256x256xf32>
    %swap3A_50 = vector.shape_cast %add3A_45 : vector<256x256xf32> to vector<1x256x256xf32>
    tpu.vector_store %arg4[%swap3A, %swap3A_46, %swap3A_47], %swap3A_50 {strides = array<i32>} : memref<1x256x256xf32, #tpu.memory_space<vmem>>, vector<1x256x256xf32>,
    return
  }
  func.func @transform_0(%arg0: i32, %arg1: i32) -> (i32, i32, i32, i32) {
    %c0_i32 = arith.constant 0 : i32
    %c0_i32_0 = arith.constant 0 : i32
    %c0_i32_1 = arith.constant 0 : i32
    return %arg0, %c0_i32, %arg1, %c0_i32_0 : i32, i32, i32, i32
  }
  func.func @transform_1(%arg0: i32, %arg1: i32) -> (i32, i32, i32) {
    %c0_i32 = arith.constant 0 : i32
    %c0_i32_0 = arith.constant 0 : i32
    return %arg0, %c0_i32, %arg1 : i32, i32, i32
  }
  func.func @transform_2(%arg0: i32, %arg1: i32) -> (i32, i32, i32) {
    %c0_i32 = arith.constant 0 : i32
    %c0_i32_0 = arith.constant 0 : i32
    return %arg0, %c0_i32, %arg1 : i32, i32, i32
  }
}

</mosaic_0001>

<sc_bundles>
// kernel: kernel.11.cloned.1.call-start
scs
__scs_entry_jumppad:
0x0: {  	(pc) =	sbr.rel $0x88, $3  }
0x1: {  	(tag) =	ssettag $0x0;
	lr =	simm.s32 $0x1  }
0x2: {  	[smem:$0x3F9B] =	sst lr;
	_ =	strace $0xD0000000  }
0x3: {  	_ = 	snop  }
0x4: {  	_ = 	snop  }
0x5: {  	_ = 	snop  }
0x6: {  	_ = 	snop  }
0x7: {  	_ = 	snop  }
__scs_overlays_trampoline_lowered:
0x8: {  	[smem:$0x3FAA] =	sst s0  }
0x9: {  	[smem:$0x3FAB] =	sst s1  }
0xa: {  	[smem:$0x3FAC] =	sst s2  }
0xb: {  	[smem:$0x3FAD] =	sst s3  }
0xc: {  	[smem:$0x3FAE] =	sst s4  }
0xd: {  	[smem:$0x3FAF] =	sst s5  }
0xe: {  	[smem:$0x3FB0] =	sst s6  }
0xf: {  	[smem:$0x3FB1] =	sst s7  }
0x10: {  	[smem:$0x3FB2] =	sst s8  }
0x11: {  	[smem:$0x3FB3] =	sst s9;
	s0 =	simm.s32 @!p0 $0x0  }
0x12: {  	s1 =	sld [smem:$0x3F99];
	s0 =	simm.s32 @p0 $0x1  }
0x13: {  	[smem:$0x3FB4] =	sst s0;
	s0 =	simm.s32 @!p1 $0x0  }
0x14: {  	s2 =	sld [smem:$0x3F98];
	s0 =	simm.s32 @p1 $0x1  }
0x15: {  	[smem:$0x3FB5] =	sst s0;
	s0 =	simm.s32 @!p2 $0x0  }
0x16: {  	s3 =	sld [smem:$0x3FDB];
	s0 =	simm.s32 @p2 $0x1  }
0x17: {  	s4 =	simm.s32 $0x1BF5;
	[smem:$0x3FB7] =	sst s0  }
0x18: {  	s0 =	sld [smem:$0x3F9A];
	_ =	swait.ge [sflag:s4], $0x0  }
0x19: {  	s7 =	sld [smem:$0x3F9B]  }
0x1a: {  	s8 =	sadd.s32 $0xFFFFE003, lr  }
0x1b: {  	s9 =	sadd.s32 $0xFFFFFEF7, lr;
	s5 =	simm.s32 $0xFFFFFFFF;
	p2 =	slt.u32 s8, $0xFFFFF086  }
0x1c: {  	p1 =	slt.u32 s9, $0xF7A;
	s5 =	simm.s32 @!p2 $0x0  }
0x1d: {  	s5 =	simm.s32 @p1 $0x1;
	p0 =	seq.s32 s7, s2  }
0x1e: {  	s7 =	smul.u32 @!p0 $0xF7A, s2;
	p2 =	seq.s32 @!p0 s5, $0x0  }
0x1f: {  	s9 =	smul.u32 $0xF7A, s1;
	s8 =	simm.s32 @!p0 $0x1BF5;
	p2 =	por !p2, p0  }
0x20: {  	[sflag:s8] =	ssyncset.s32 @!p0 $0xFFFFF086;
	s6 =	sadd.s32 @!p0 s3, s7;
	s7 =	simm.s32 @!p0 $0x108  }
0x21: {  	s3 =	sadd.s32 s3, s9;
	s6 =	sadd.s32 @!p0 $0x88, s6;
	s7 =	simm.s32 @p2 $0x1082  }
0x22: {  	[simem:s7], [sflag:s8] =	dma.local @!p0 [hbm:s6], $0xF7A  }
0x23: {  	s9 =	sor.u32 $0xD0000000, s2;
	s6 =	simm.s32 $0x108;
	_ =	swait.ge @!p0 [sflag:s8], $0x0  }
0x24: {  	s3 =	sadd.s32 $0x88, s3;
	s6 =	simm.s32 @!p1 $0x1082;
	[sflag:s4] =	ssyncset.s32 $0xFFFFF086  }
0x25: {  	[simem:s6], [sflag:s4] =	dma.local [hbm:s3], $0xF7A  }
0x26: {  	[smem:$0x3F9B] =	sst s1;
	(tag) =	ssettag s2;
	_ =	strace s9  }
0x27: {  	s1 =	sld [smem:$0x3FAB]  }
0x28: {  	s2 =	sld [smem:$0x3FAC]  }
0x29: {  	s4 =	sld [smem:$0x3FAE]  }
0x2a: {  	p0 =	seq.s32 s5, $0x0;
	s5 =	sld [smem:$0x3FAF]  }
0x2b: {  	s6 =	sld [smem:$0x3FB0]  }
0x2c: {  	s7 =	sld [smem:$0x3FB1]  }
0x2d: {  	s3 =	simm.s32 $0x108;
	s8 =	sld [smem:$0x3FB2]  }
0x2e: {  	s3 =	simm.s32 @!p0 $0x1082;
	s9 =	sld [smem:$0x3FB3]  }
0x2f: {  	lr =	sadd.s32 s0, s3;
	s0 =	sld [smem:$0x3FAA]  }
0x30: {  	s3 =	sld [smem:$0x3FAD]  }
0x31: {  	[smem:$0x3FB6] =	sst s10  }
0x32: {  	s10 =	sld [smem:$0x3FB4];
	_ =	sdelay $0x3  }
0x33: {  	p0 =	seq.s32 s10, $0x1;
	s10 =	sld [smem:$0x3FB6];
	_ =	sdelay $0x3  }
0x34: {  	[smem:$0x3FB6] =	sst s10  }
0x35: {  	s10 =	sld [smem:$0x3FB5];
	_ =	sdelay $0x3  }
0x36: {  	p1 =	seq.s32 s10, $0x1;
	s10 =	sld [smem:$0x3FB6];
	_ =	sdelay $0x3  }
0x37: {  	[smem:$0x3FB6] =	sst s10  }
0x38: {  	s10 =	sld [smem:$0x3FB7]  }
0x39: {  	_ = 	snop;
	(pc) =	sbr.ind lr, $3  }
0x3a: {  	_ = 	snop  }
0x3b: {  	_ = 	snop  }
0x3c: {  	p2 =	seq.s32 s10, $0x1;
	s10 =	sld [smem:$0x3FB6]  }
0x3d: {  	_ =	shalt  }
0x3e: {  	_ =	shalt  }
0x3f: {  	_ =	shalt  }
0x40: {  	_ =	shalt  }
0x41: {  	_ =	shalt  }
0x42: {  	_ =	shalt  }
0x43: {  	_ =	shalt  }
0x44: {  	_ =	shalt  }
0x45: {  	_ =	shalt  }
0x46: {  	_ =	shalt  }
0x47: {  	_ =	shalt  }
0x48: {  	_ =	shalt  }
0x49: {  	_ =	shalt  }
0x4a: {  	_ =	shalt  }
0x4b: {  	_ =	shalt  }
0x4c: {  	_ =	shalt  }
0x4d: {  	_ =	shalt  }
0x4e: {  	_ =	shalt  }
0x4f: {  	_ =	shalt  }
0x50: {  	_ =	shalt  }
0x51: {  	_ =	shalt  }
0x52: {  	_ =	shalt  }
0x53: {  	_ =	shalt  }
0x54: {  	_ =	shalt  }
0x55: {  	_ =	shalt  }
0x56: {  	_ =	shalt  }
0x57: {  	_ =	shalt  }
0x58: {  	_ =	shalt  }
0x59: {  	_ =	shalt  }
0x5a: {  	_ =	shalt  }
0x5b: {  	_ =	shalt  }
0x5c: {  	_ =	shalt  }
0x5d: {  	_ =	shalt  }
0x5e: {  	_ =	shalt  }
0x5f: {  	_ =	shalt  }
0x60: {  	_ =	shalt  }
0x61: {  	_ =	shalt  }
0x62: {  	_ =	shalt  }
0x63: {  	_ =	shalt  }
0x64: {  	_ =	shalt  }
0x65: {  	_ =	shalt  }
0x66: {  	_ =	shalt  }
0x67: {  	_ =	shalt  }
0x68: {  	_ =	shalt  }
0x69: {  	_ =	shalt  }
0x6a: {  	_ =	shalt  }
0x6b: {  	_ =	shalt  }
0x6c: {  	_ =	shalt  }
0x6d: {  	_ =	shalt  }
0x6e: {  	_ =	shalt  }
0x6f: {  	_ =	shalt  }
0x70: {  	_ =	shalt  }
0x71: {  	_ =	shalt  }
0x72: {  	_ =	shalt  }
0x73: {  	_ =	shalt  }
0x74: {  	_ =	shalt  }
0x75: {  	_ =	shalt  }
0x76: {  	_ =	shalt  }
0x77: {  	_ =	shalt  }
0x78: {  	_ =	shalt  }
0x79: {  	_ =	shalt  }
0x7a: {  	_ =	shalt  }
0x7b: {  	_ =	shalt  }
0x7c: {  	_ =	shalt  }
0x7d: {  	_ =	shalt  }
0x7e: {  	_ =	shalt  }
0x7f: {  	_ =	shalt  }
0x80: {  	_ =	shalt  }
0x81: {  	_ =	shalt  }
0x82: {  	_ =	shalt  }
0x83: {  	_ =	shalt  }
0x84: {  	_ =	shalt  }
0x85: {  	_ =	shalt  }
0x86: {  	_ =	shalt  }
0x87: {  	_ =	shalt  }
.Lfunc_end0:
.L_simem_size_0:
called_computation.1_lowered:
.L_overlay_start_0:
0x88: {  	s2 =	sld [smem:$0x3FD9]  }
0x89: {  	s3 =	sld [smem:$0x3FFE];
	_ =	sdelay $0x1  }
0x8a: {  	s1 =	srdreg.scid  }
0x8b: {  	s0 =	sand.u32 $0x1, s1  }
0x8c: {  	s16 =	sshll.u32 s0, $0xA;
	s2 =	sadd.s32 s3, s2  }
0x8d: {  	s2 =	sadd.s32 s2, s16  }
0x8e: {  	[smem:$0x3FC2] =	sst s2  }
0x8f: {  	_ = 	snop  }
0x90: {  	(tm) =	ssettm $0x1  }
0x91: {  	s17 =	sld [smem:$0x3FFB];
	_ =	sdelay $0x3  }
0x92: {  	_ =	strace s17  }
0x93: {  	s2 =	sld [smem:$0x3FFC];
	_ =	sdelay $0x3  }
0x94: {  	_ =	strace s2  }
0x95: {  	s2 =	sld [smem:$0x3FFD];
	_ =	sdelay $0x3  }
0x96: {  	_ =	strace s2  }
0x97: {  	_ =	strace $0x8FFFFFFF  }
0x98: {  	s18 =	sld [smem:$0x3FDB];
	_ =	sdelay $0x1  }
0x99: {  	s19 =	simm.s32 $_scs_section_size  }
0x9a: {  	s4 =	simm.s32 $_size__tile_overlayer_lowered;
	s5 =	simm.s32 $_tile_overlayer_lowered  }
0x9b: {  	s22 =	simm.s32 $0x1BFF;
	s21 =	sshll.u32 s5, $0x1;
	s2 =	sadd.s32 s19, s18  }
0x9c: {  	s6 =	simm.s32 $0x0;
	s20 =	sshll.u32 s4, $0x1;
	s4 =	sadd.s32 s21, s2  }
0x9d: {  	[timem:s6], [sflag:s22] =	dma.local [hbm:s4], s20  }
0x9e: {  	_ =	swait.ge [sflag:s22], s20  }
0x9f: {  	s3 =	ssub.s32 $0x0, s20;
	[sflag:s22] =	ssyncset.done $0x0  }
0xa0: {  	[sflag:s22] =	ssyncadd.s32 s3;
	_ =	sdelay $0x1  }
0xa1: {  	s23 =	simm.s32 $0x1B8B  }
0xa2: {  	_ =	swait.ge [sflag:s23], $0x1  }
0xa3: {  	[sflag:s23] =	ssyncset.done $0x0  }
0xa4: {  	s25 =	simm.s32 $0x1B8E;
	s24 =	sld [smem:$0x3FFE];
	[sflag:s23] =	ssyncadd.s32 $0xFFFFFFFF  }
0xa5: {  	s26 =	simm.s32 $execute0_lowered;
	[smem:$0x3FD2] =	sst s25  }
0xa6: {  	s4 =	sshll.u32 s26, $0x1;
	_ =	strace $0x80000049;
	[dreg:$0x1] =	wrdreg $0xFFFFFFFF  }
0xa7: {  	s28 =	simm.s32 $_size_execute0_lowered;
	s2 =	sadd.s32 s2, s4;
	[dreg:$0x0] =	wrdreg $0x0  }
0xa8: {  	s4 =	sshll.u32 s28, $0x1;
	[dreg:$0x2] =	wrdreg s2  }
0xa9: {  	[dreg:$0x3] =	wrdreg s4  }
0xaa: {  	[dreg:$0x4] =	wrdreg $0xC0  }
0xab: {  	_ =	task [dreg:s6], $0x5FFFF  }
0xac: {  	[dreg:$0x1] =	wrdreg $0xFFFFFFFF  }
0xad: {  	[dreg:$0x0] =	wrdreg $0x60  }
0xae: {  	[dreg:$0x2] =	wrdreg s24  }
0xaf: {  	[dreg:$0x3] =	wrdreg $0x9  }
0xb0: {  	_ =	task.clear_ibuf [dreg:s6], $0x4FFFF;
	_ =	strace $0x90000049  }
0xb1: {  	s29 =	simm.s32 $0x9;
	_ =	strace $0x8000004B  }
0xb2: {  	_ =	swait.ge [sflag:s29], $0x1  }
0xb3: {  	[sflag:s29] =	ssyncadd.s32 $0xFFFFFFFF  }
0xb4: {  	_ =	strace $0x9000004B  }
0xb5: {  	_ =	sfence  }
0xb6: {  	s30 =	sld [smem:$0x0];
	_ =	sdelay $0x2  }
0xb7: {  	s31 =	sshll.u32 s1, $0xD;
	s1 =	sshrl.u32 s1, $0x2  }
0xb8: {  	s3 =	sand.u32 $0x4000, s31;
	s1 =	sadd.s32 s1, s30  }
0xb9: {  	s0 =	sor.u32 s3, s0;
	s1 =	sshll.u32 s1, $0x11  }
0xba: {  	s0 =	sor.u32 s1, s0  }
0xbb: {  	s0 =	sadd.s32 $0x8F2B, s0  }
0xbc: {  	[sflag:s0] =	ssyncadd.remote.s32 $0x1  }
0xbd: {  	_ =	sfence.sel $0xFFFF  }
0xbe: {  	[dreg:$0x0] =	wrdreg $0xFFFFFFFF;
	(pc) =	sbr.abs _section_cstart, $3  }
0xbf: {  	[dreg:$0x1] =	wrdreg $0xFFFFFFFF  }
0xc0: {  	_ =	task.clear_ibuf [dreg:s6], $0x2FFFF;
	_ =	strace $0x9FFFFFFF  }
0xc1: {  	(tm) =	ssettm $0x7FFFFFFF  }
tec
execute0_lowered:
.L_overlay_start_1:
0x0: {  	(tag) =	ssettag $0x1  }
0x1: {  	s0 =	srdreg.scid;
	s1 =	stileid.u32  }
0x2: {  	s4 =	rddreg [dreg:$0x0];
	s0 =	sand.u32 $0x1, s0;
	s1 =	smul.u32 $0x900, s1  }
0x3: {  	s16 =	simm.s32 $0x880;
	s5 =	simm.s32 $0xC80;
	s2 =	smul.u32 $0x480, s0  }
0x4: {  	s17 =	simm.s32 $0x1480;
	s18 =	simm.s32 $0x1880;
	s19 =	simm.s32 $0x2080  }
0x5: {  	s20 =	simm.s32 $0x2480;
	s1 =	sadd.s32 s2, s1;
	s2 =	simm.s32 $0x0  }
0x6: {  	s21 =	simm.s32 $0x2C80;
	s22 =	simm.s32 $0x3080;
	[smem:$0x7FF] =	sst s2  }
0x7: {  	s23 =	simm.s32 $0x3880;
	_ =	strace $0x8000004A;
	[dreg:$0x3] =	wrdreg s16  }
0x8: {  	s25 =	simm.s32 $0x3C80;
	s7 =	simm.s32 $0x2;
	[dreg:$0x4] =	wrdreg s5  }
0x9: {  	s26 =	simm.s32 $0x4480;
	s8 =	simm.s32 $0x80;
	[dreg:$0x5] =	wrdreg s17  }
0xa: {  	s9 =	simm.s32 $0x4880;
	s0 =	ssub.s32 $0x2, s0;
	[dreg:$0x6] =	wrdreg s18  }
0xb: {  	s10 =	simm.s32 $0x5080;
	s6 =	sshrl.u32 s0, $0x1;
	[dreg:$0x7] =	wrdreg s19  }
0xc: {  	s11 =	simm.s32 $0x5480;
	s0 =	ssub.s32 s0, s6;
	[dreg:$0x8] =	wrdreg s20  }
0xd: {  	s12 =	simm.s32 $0x5C80;
	s0 =	smax.u32 s0, $0x1;
	[dreg:$0x9] =	wrdreg s21  }
0xe: {  	s13 =	simm.s32 $0x6080;
	s14 =	simm.s32 $0x6880;
	[dreg:$0xe] =	wrdreg s0  }
0xf: {  	s15 =	simm.s32 $0x6C80;
	s28 =	simm.s32 $0xB480;
	[dreg:$0xa] =	wrdreg s22  }
0x10: {  	s29 =	simm.s32 $0xBC80;
	s30 =	simm.s32 $0x1;
	[dreg:$0xb] =	wrdreg s23  }
0x11: {  	s31 =	simm.s32 $0x0;
	s1 =	sshrl.u32 s1, $0x3;
	[dreg:$0xc] =	wrdreg s25  }
0x12: {  	s3 =	sadd.s32 s1, s4;
	s1 =	smul.u32 $0x180, s1;
	[dreg:$0xd] =	wrdreg s26  }
0x13: {  	s16 =	simm.s32 $0x7480;
	s17 =	simm.s32 $0x7880;
	s18 =	simm.s32 $0x8080  }
0x14: {  	s19 =	simm.s32 $0x8480;
	s20 =	simm.s32 $0x8C80;
	s21 =	simm.s32 $0x9080  }
0x15: {  	s22 =	simm.s32 $0x9880;
	s23 =	simm.s32 $0x9C80;
	s25 =	simm.s32 $0xA880  }
0x16: {  	v2 =	vlaneseq.u32;
	s26 =	simm.s32 $0xB080;
	s3 =	sadd.s32 $0x2000, s3;
	s1 =	sadd.s32 s1, s4  }
0x17: {  	vm0 =	vmmov $0xffff;
	vm1 =	vmmov $0xff;
	v1 =	vshrl.u32 v2, $0x3;
	[dreg:$0x2] =	wrdreg s3;
	s3 =	sadd.s32 $0x1D7200, s4;
	s24 =	sadd.s32 $0x3200, s1  }
0x18: {  	v0 =	vand.u32 $0x7, v2;
	v2 =	vor.u32 $0x8, v2;
	v1 =	vmul.u32 $0x8, v1;
	s4 =	sadd.s32 $0x1D7300, s4;
	[dreg:$0xf] =	wrdreg s24;
	s24 =	simm.s32 $0xA480  }
.LBB2_1:
0x19: {  	s1 =	simm.s32 $0x0;
	s6 =	rddreg [dreg:$0xf]  }
.LBB2_2:
0x1a: {  	s5 =	rddreg [dreg:$0x2]  }
0x1b: {  	s5 =	sadd.s32 s1, s5  }
0x1c: {  	[tilespmem:s2], [sflag:$0x2] =	stream.linear.gather [hbm4b:s5+s2], $0x80, $0x38;
	[tilespmem:$0xC080] =	vst v63  }
0x1d: {  	_ =	swait.ge [sflag:s7], $0x80  }
0x1e: {  	[sflag:s7] =	ssyncset.done $0x0  }
0x1f: {  	[sflag:s7] =	ssyncadd.s32 $0xFFFFFF80  }
0x20: {  	v3 =	vld [tilespmem:$0x0];
	_ =	sdelay $0x4  }
0x21: {  	v4 =	vshrl.u32 v3, $0x3  }
0x22: {  	v4 =	vmul.u32 $0x18, v4  }
0x23: {  	v3 =	vand.u32 $0x7, v3  }
0x24: {  	v3 =	vor.u32 v3, v4  }
0x25: {  	v4 =	vperm.xlane v3, v0;
	_ =	sdelay $0x1  }
0x26: {  	v4 =	vadd.s32 v1, v4;
	_ =	sdelay $0x1  }
0x27: {  	v3 =	vperm.xlane v3, v2;
	_ =	sdelay $0x1  }
0x28: {  	v3 =	vadd.s32 v1, v3  }
0x29: {  	[tilespmem:s8], [sflag:$0x1] =	stream.indirect_vreg.gather [hbm4b:s3+s2], $0x80, v4, vm0, $0xb8;
	[tilespmem:$0xC080] =	vst v63  }
0x2a: {  	s5 =	rddreg [dreg:$0x3]  }
0x2b: {  	[tilespmem:s5], [sflag:$0x1] =	stream.indirect_vreg.gather [hbm4b:s4+s2], $0x80, v4, vm1, $0xb8;
	[tilespmem:$0xC080] =	vst v63  }
0x2c: {  	s0 =	rddreg [dreg:$0x4]  }
0x2d: {  	[tilespmem:s0], [sflag:$0x1] =	stream.indirect_vreg.gather [hbm4b:s3+s2], $0x80, v3, vm0, $0xb8;
	[tilespmem:$0xC080] =	vst v63  }
0x2e: {  	s5 =	rddreg [dreg:$0x5]  }
0x2f: {  	[tilespmem:s5], [sflag:$0x1] =	stream.indirect_vreg.gather [hbm4b:s4+s2], $0x80, v3, vm1, $0xb8;
	[tilespmem:$0xC080] =	vst v63  }
0x30: {  	v3 =	vld [tilespmem:$0x10];
	_ =	sdelay $0x4  }
0x31: {  	v57 =	vshrl.u32 v3, $0x3  }
0x32: {  	v4 =	vmul.u32 $0x18, v57  }
0x33: {  	v3 =	vand.u32 $0x7, v3  }
0x34: {  	v3 =	vor.u32 v3, v4  }
0x35: {  	v4 =	vperm.xlane v3, v0;
	_ =	sdelay $0x1  }
0x36: {  	v4 =	vadd.s32 v1, v4;
	_ =	sdelay $0x1  }
0x37: {  	v3 =	vperm.xlane v3, v2;
	_ =	sdelay $0x1  }
0x38: {  	s0 =	rddreg [dreg:$0x6];
	v3 =	vadd.s32 v1, v3  }
0x39: {  	[tilespmem:s0], [sflag:$0x1] =	stream.indirect_vreg.gather [hbm4b:s3+s2], $0x80, v4, vm0, $0xb8;
	[tilespmem:$0xC080] =	vst v63  }
0x3a: {  	s5 =	rddreg [dreg:$0x7]  }
0x3b: {  	[tilespmem:s5], [sflag:$0x1] =	stream.indirect_vreg.gather [hbm4b:s4+s2], $0x80, v4, vm1, $0xb8;
	[tilespmem:$0xC080] =	vst v63  }
0x3c: {  	s0 =	rddreg [dreg:$0x8]  }
0x3d: {  	[tilespmem:s0], [sflag:$0x1] =	stream.indirect_vreg.gather [hbm4b:s3+s2], $0x80, v3, vm0, $0xb8;
	[tilespmem:$0xC080] =	vst v63  }
0x3e: {  	s5 =	rddreg [dreg:$0x9]  }
0x3f: {  	[tilespmem:s5], [sflag:$0x1] =	stream.indirect_vreg.gather [hbm4b:s4+s2], $0x80, v3, vm1, $0xb8;
	[tilespmem:$0xC080] =	vst v63  }
0x40: {  	v3 =	vld [tilespmem:$0x20];
	_ =	sdelay $0x4  }
0x41: {  	v58 =	vshrl.u32 v3, $0x3  }
0x42: {  	v4 =	vmul.u32 $0x18, v58  }
0x43: {  	v3 =	vand.u32 $0x7, v3  }
0x44: {  	v3 =	vor.u32 v3, v4  }
0x45: {  	v4 =	vperm.xlane v3, v0;
	_ =	sdelay $0x1  }
0x46: {  	v4 =	vadd.s32 v1, v4;
	_ =	sdelay $0x1  }
0x47: {  	v3 =	vperm.xlane v3, v2;
	_ =	sdelay $0x1  }
0x48: {  	s0 =	rddreg [dreg:$0xa];
	v3 =	vadd.s32 v1, v3  }
0x49: {  	[tilespmem:s0], [sflag:$0x1] =	stream.indirect_vreg.gather [hbm4b:s3+s2], $0x80, v4, vm0, $0xb8;
	[tilespmem:$0xC080] =	vst v63  }
0x4a: {  	s5 =	rddreg [dreg:$0xb]  }
0x4b: {  	[tilespmem:s5], [sflag:$0x1] =	stream.indirect_vreg.gather [hbm4b:s4+s2], $0x80, v4, vm1, $0xb8;
	[tilespmem:$0xC080] =	vst v63  }
0x4c: {  	s0 =	rddreg [dreg:$0xc]  }
0x4d: {  	[tilespmem:s0], [sflag:$0x1] =	stream.indirect_vreg.gather [hbm4b:s3+s2], $0x80, v3, vm0, $0xb8;
	[tilespmem:$0xC080] =	vst v63  }
0x4e: {  	s5 =	rddreg [dreg:$0xd]  }
0x4f: {  	[tilespmem:s5], [sflag:$0x1] =	stream.indirect_vreg.gather [hbm4b:s4+s2], $0x80, v3, vm1, $0xb8;
	[tilespmem:$0xC080] =	vst v63  }
0x50: {  	v3 =	vld [tilespmem:$0x30];
	_ =	sdelay $0x4  }
0x51: {  	v59 =	vshrl.u32 v3, $0x3  }
0x52: {  	v4 =	vmul.u32 $0x18, v59  }
0x53: {  	v3 =	vand.u32 $0x7, v3  }
0x54: {  	v3 =	vor.u32 v3, v4  }
0x55: {  	v4 =	vperm.xlane v3, v0;
	_ =	sdelay $0x1  }
0x56: {  	v4 =	vadd.s32 v1, v4;
	_ =	sdelay $0x1  }
0x57: {  	v3 =	vperm.xlane v3, v2;
	_ =	sdelay $0x1  }
0x58: {  	v3 =	vadd.s32 v1, v3  }
0x59: {  	[tilespmem:s9], [sflag:$0x1] =	stream.indirect_vreg.gather [hbm4b:s3+s2], $0x80, v4, vm0, $0xb8;
	[tilespmem:$0xC080] =	vst v63  }
0x5a: {  	_ = 	snop  }
0x5b: {  	[tilespmem:s10], [sflag:$0x1] =	stream.indirect_vreg.gather [hbm4b:s4+s2], $0x80, v4, vm1, $0xb8;
	[tilespmem:$0xC080] =	vst v63  }
0x5c: {  	_ = 	snop  }
0x5d: {  	[tilespmem:s11], [sflag:$0x1] =	stream.indirect_vreg.gather [hbm4b:s3+s2], $0x80, v3, vm0, $0xb8;
	[tilespmem:$0xC080] =	vst v63  }
0x5e: {  	_ = 	snop  }
0x5f: {  	[tilespmem:s12], [sflag:$0x1] =	stream.indirect_vreg.gather [hbm4b:s4+s2], $0x80, v3, vm1, $0xb8;
	[tilespmem:$0xC080] =	vst v63  }
0x60: {  	v3 =	vld [tilespmem:$0x40];
	_ =	sdelay $0x4  }
0x61: {  	v60 =	vshrl.u32 v3, $0x3  }
0x62: {  	v4 =	vmul.u32 $0x18, v60  }
0x63: {  	v3 =	vand.u32 $0x7, v3  }
0x64: {  	v3 =	vor.u32 v3, v4  }
0x65: {  	v4 =	vperm.xlane v3, v0;
	_ =	sdelay $0x1  }
0x66: {  	v4 =	vadd.s32 v1, v4;
	_ =	sdelay $0x1  }
0x67: {  	v3 =	vperm.xlane v3, v2;
	_ =	sdelay $0x1  }
0x68: {  	v3 =	vadd.s32 v1, v3  }
0x69: {  	[tilespmem:s13], [sflag:$0x1] =	stream.indirect_vreg.gather [hbm4b:s3+s2], $0x80, v4, vm0, $0xb8;
	[tilespmem:$0xC080] =	vst v63  }
0x6a: {  	_ = 	snop  }
0x6b: {  	[tilespmem:s14], [sflag:$0x1] =	stream.indirect_vreg.gather [hbm4b:s4+s2], $0x80, v4, vm1, $0xb8;
	[tilespmem:$0xC080] =	vst v63  }
0x6c: {  	_ = 	snop  }
0x6d: {  	[tilespmem:s15], [sflag:$0x1] =	stream.indirect_vreg.gather [hbm4b:s3+s2], $0x80, v3, vm0, $0xb8;
	[tilespmem:$0xC080] =	vst v63  }
0x6e: {  	_ = 	snop  }
0x6f: {  	[tilespmem:s16], [sflag:$0x1] =	stream.indirect_vreg.gather [hbm4b:s4+s2], $0x80, v3, vm1, $0xb8;
	[tilespmem:$0xC080] =	vst v63  }
0x70: {  	v3 =	vld [tilespmem:$0x50];
	_ =	sdelay $0x4  }
0x71: {  	v61 =	vshrl.u32 v3, $0x3  }
0x72: {  	v4 =	vmul.u32 $0x18, v61  }
0x73: {  	v3 =	vand.u32 $0x7, v3  }
0x74: {  	v3 =	vor.u32 v3, v4  }
0x75: {  	v4 =	vperm.xlane v3, v0;
	_ =	sdelay $0x1  }
0x76: {  	v4 =	vadd.s32 v1, v4;
	_ =	sdelay $0x1  }
0x77: {  	v3 =	vperm.xlane v3, v2;
	_ =	sdelay $0x1  }
0x78: {  	v3 =	vadd.s32 v1, v3  }
0x79: {  	[tilespmem:s17], [sflag:$0x1] =	stream.indirect_vreg.gather [hbm4b:s3+s2], $0x80, v4, vm0, $0xb8;
	[tilespmem:$0xC080] =	vst v63  }
0x7a: {  	_ = 	snop  }
0x7b: {  	[tilespmem:s18], [sflag:$0x1] =	stream.indirect_vreg.gather [hbm4b:s4+s2], $0x80, v4, vm1, $0xb8;
	[tilespmem:$0xC080] =	vst v63  }
0x7c: {  	_ = 	snop  }
0x7d: {  	[tilespmem:s19], [sflag:$0x1] =	stream.indirect_vreg.gather [hbm4b:s3+s2], $0x80, v3, vm0, $0xb8;
	[tilespmem:$0xC080] =	vst v63  }
0x7e: {  	_ = 	snop  }
0x7f: {  	[tilespmem:s20], [sflag:$0x1] =	stream.indirect_vreg.gather [hbm4b:s4+s2], $0x80, v3, vm1, $0xb8;
	[tilespmem:$0xC080] =	vst v63  }
0x80: {  	v3 =	vld [tilespmem:$0x60];
	_ =	sdelay $0x4  }
0x81: {  	v62 =	vshrl.u32 v3, $0x3  }
0x82: {  	v4 =	vmul.u32 $0x18, v62  }
0x83: {  	v3 =	vand.u32 $0x7, v3  }
0x84: {  	v3 =	vor.u32 v3, v4  }
0x85: {  	v4 =	vperm.xlane v3, v0;
	_ =	sdelay $0x1  }
0x86: {  	v4 =	vadd.s32 v1, v4;
	_ =	sdelay $0x1  }
0x87: {  	v3 =	vperm.xlane v3, v2;
	_ =	sdelay $0x1  }
0x88: {  	v3 =	vadd.s32 v1, v3  }
0x89: {  	[tilespmem:s21], [sflag:$0x1] =	stream.indirect_vreg.gather [hbm4b:s3+s2], $0x80, v4, vm0, $0xb8;
	[tilespmem:$0xC080] =	vst v63  }
0x8a: {  	_ = 	snop  }
0x8b: {  	[tilespmem:s22], [sflag:$0x1] =	stream.indirect_vreg.gather [hbm4b:s4+s2], $0x80, v4, vm1, $0xb8;
	[tilespmem:$0xC080] =	vst v63  }
0x8c: {  	_ = 	snop  }
0x8d: {  	[tilespmem:s23], [sflag:$0x1] =	stream.indirect_vreg.gather [hbm4b:s3+s2], $0x80, v3, vm0, $0xb8;
	[tilespmem:$0xC080] =	vst v63  }
0x8e: {  	_ = 	snop  }
0x8f: {  	[tilespmem:s24], [sflag:$0x1] =	stream.indirect_vreg.gather [hbm4b:s4+s2], $0x80, v3, vm1, $0xb8;
	[tilespmem:$0xC080] =	vst v63  }
0x90: {  	v3 =	vld [tilespmem:$0x70];
	_ =	sdelay $0x4  }
0x91: {  	v63 =	vshrl.u32 v3, $0x3  }
0x92: {  	v4 =	vmul.u32 $0x18, v63  }
0x93: {  	v3 =	vand.u32 $0x7, v3  }
0x94: {  	v3 =	vor.u32 v3, v4  }
0x95: {  	v4 =	vperm.xlane v3, v0;
	_ =	sdelay $0x1  }
0x96: {  	v4 =	vadd.s32 v1, v4;
	_ =	sdelay $0x1  }
0x97: {  	v3 =	vperm.xlane v3, v2;
	_ =	sdelay $0x1  }
0x98: {  	v3 =	vadd.s32 v1, v3  }
0x99: {  	[tilespmem:s25], [sflag:$0x1] =	stream.indirect_vreg.gather [hbm4b:s3+s2], $0x80, v4, vm0, $0xb8;
	[tilespmem:$0xC080] =	vst v63  }
0x9a: {  	_ = 	snop  }
0x9b: {  	[tilespmem:s26], [sflag:$0x1] =	stream.indirect_vreg.gather [hbm4b:s4+s2], $0x80, v4, vm1, $0xb8;
	[tilespmem:$0xC080] =	vst v63  }
0x9c: {  	_ = 	snop  }
0x9d: {  	[tilespmem:s28], [sflag:$0x1] =	stream.indirect_vreg.gather [hbm4b:s3+s2], $0x80, v3, vm0, $0xb8;
	[tilespmem:$0xC080] =	vst v63  }
0x9e: {  	_ = 	snop  }
0x9f: {  	[tilespmem:s29], [sflag:$0x1] =	stream.indirect_vreg.gather [hbm4b:s4+s2], $0x80, v3, vm1, $0xb8;
	[tilespmem:$0xC080] =	vst v63  }
0xa0: {  	_ =	swait.ge [sflag:s30], $0xC000  }
0xa1: {  	p0 =	sne.s32 s1, $0x80;
	[sflag:s30] =	ssyncset.done $0x0  }
.Ltmp0:
0xa2: {  	[sflag:s30] =	ssyncadd.s32 $0xFFFF4000;
	(pc) =	sbr.rel @p0 .LBB2_2-.Ltmp0, $4  }
0xa3: {  	[hbm4b:s6+s2] =	stream.linear.scatter [tilespmem:s8], [sflag:$0x2], $0xC000, $0x38;
	[tilespmem:$0xC080] =	vst v63  }
0xa4: {  	_ =	swait.ge [sflag:s7], $0xC000  }
0xa5: {  	[sflag:s7] =	ssyncset.done $0x0  }
0xa6: {  	s1 =	sadd.s32 $0x10, s1;
	s6 =	sadd.s32 $0x1800, s6;
	[sflag:s7] =	ssyncadd.s32 $0xFFFF4000  }
0xa7: {  	s31 =	sadd.s32 $0x1, s31;
	s0 =	rddreg [dreg:$0xe]  }
0xa8: {  	p0 =	sne.s32 s31, s0  }
.Ltmp1:
0xa9: {  	_ = 	snop;
	(pc) =	sbr.rel @p0 .LBB2_1-.Ltmp1, $1  }
0xaa: {  	_ =	sdelay $0x3  }
0xab: {  	_ =	sfence.sel $0x180000  }
0xac: {  	[bflag:$0x0] =	sbarrier.arrive $0xFFFF  }
0xad: {  	_ =	strace $0x9000004A  }
0xae: {  	s0 =	stileid.u32;
	[bflag:$0x2] =	sbarrier.arrive $0xFFFF  }
0xaf: {  	p0 =	sne.s32 s0, $0x0;
	s0 =	rddreg [dreg:$0x1]  }
0xb0: {  	s0 =	sadd.s32 @!p0 $0x100000, s0  }
0xb1: {  	[sflag:s0] =	ssyncadd.tile.s32 @!p0 $0x1;
	_ =	shalt  }
.Lfunc_end2:
_tile_overlayer_lowered:
.L_overlay_start_2:
0xb2: {  	(tag) =	ssettag $0x2  }
0xb3: {  	s0 =	rddreg [dreg:$0x0];
	s2 =	stileid.u32  }
0xb4: {  	s1 =	rddreg [dreg:$0x1];
	p0 =	sne.s32 s2, $0x0  }
0xb5: {  	s3 =	rddreg [dreg:$0x2];
	[bflag:$0x3] =	sbarrier.arrive $0xFFFF;
	s2 =	simm.s32 @!p0 $0x1C02  }
0xb6: {  	[timem:s3], [sflag:s2] =	dma.local @!p0 [hbm:s0], s1  }
0xb7: {  	s0 =	simm.s32 @!p0 $0x2  }
0xb8: {  	_ =	swait.ge @!p0 [sflag:s0], s1  }
0xb9: {  	s1 =	ssub.s32 @!p0 $0x0, s1;
	[sflag:s0] =	ssyncset.done @!p0 $0x0  }
0xba: {  	[sflag:s0] =	ssyncadd.s32 @!p0 s1  }
0xbb: {  	[bflag:$0x3] =	sbarrier.arrive $0xFFFF  }
0xbc: {  	_ =	shalt  }

// kernel: kernel.8.cloned.1.call-start
scs
__scs_entry_jumppad:
0x0: {  	(pc) =	sbr.rel $0x88, $3  }
0x1: {  	(tag) =	ssettag $0x0;
	lr =	simm.s32 $0x1  }
0x2: {  	[smem:$0x3F9B] =	sst lr;
	_ =	strace $0xD0000000  }
0x3: {  	_ = 	snop  }
0x4: {  	_ = 	snop  }
0x5: {  	_ = 	snop  }
0x6: {  	_ = 	snop  }
0x7: {  	_ = 	snop  }
__scs_overlays_trampoline_lowered:
0x8: {  	[smem:$0x3FAA] =	sst s0  }
0x9: {  	[smem:$0x3FAB] =	sst s1  }
0xa: {  	[smem:$0x3FAC] =	sst s2  }
0xb: {  	[smem:$0x3FAD] =	sst s3  }
0xc: {  	[smem:$0x3FAE] =	sst s4  }
0xd: {  	[smem:$0x3FAF] =	sst s5  }
0xe: {  	[smem:$0x3FB0] =	sst s6  }
0xf: {  	[smem:$0x3FB1] =	sst s7  }
0x10: {  	[smem:$0x3FB2] =	sst s8  }
0x11: {  	[smem:$0x3FB3] =	sst s9;
	s0 =	simm.s32 @!p0 $0x0  }
0x12: {  	s1 =	sld [smem:$0x3F99];
	s0 =	simm.s32 @p0 $0x1  }
0x13: {  	[smem:$0x3FB4] =	sst s0;
	s0 =	simm.s32 @!p1 $0x0  }
0x14: {  	s2 =	sld [smem:$0x3F98];
	s0 =	simm.s32 @p1 $0x1  }
0x15: {  	[smem:$0x3FB5] =	sst s0;
	s0 =	simm.s32 @!p2 $0x0  }
0x16: {  	s3 =	sld [smem:$0x3FDB];
	s0 =	simm.s32 @p2 $0x1  }
0x17: {  	s4 =	simm.s32 $0x1BF5;
	[smem:$0x3FB7] =	sst s0  }
0x18: {  	s0 =	sld [smem:$0x3F9A];
	_ =	swait.ge [sflag:s4], $0x0  }
0x19: {  	s7 =	sld [smem:$0x3F9B]  }
0x1a: {  	s8 =	sadd.s32 $0xFFFFE003, lr  }
0x1b: {  	s9 =	sadd.s32 $0xFFFFFEF7, lr;
	s5 =	simm.s32 $0xFFFFFFFF;
	p2 =	slt.u32 s8, $0xFFFFF086  }
0x1c: {  	p1 =	slt.u32 s9, $0xF7A;
	s5 =	simm.s32 @!p2 $0x0  }
0x1d: {  	s5 =	simm.s32 @p1 $0x1;
	p0 =	seq.s32 s7, s2  }
0x1e: {  	s7 =	smul.u32 @!p0 $0xF7A, s2;
	p2 =	seq.s32 @!p0 s5, $0x0  }
0x1f: {  	s9 =	smul.u32 $0xF7A, s1;
	s8 =	simm.s32 @!p0 $0x1BF5;
	p2 =	por !p2, p0  }
0x20: {  	[sflag:s8] =	ssyncset.s32 @!p0 $0xFFFFF086;
	s6 =	sadd.s32 @!p0 s3, s7;
	s7 =	simm.s32 @!p0 $0x108  }
0x21: {  	s3 =	sadd.s32 s3, s9;
	s6 =	sadd.s32 @!p0 $0x88, s6;
	s7 =	simm.s32 @p2 $0x1082  }
0x22: {  	[simem:s7], [sflag:s8] =	dma.local @!p0 [hbm:s6], $0xF7A  }
0x23: {  	s9 =	sor.u32 $0xD0000000, s2;
	s6 =	simm.s32 $0x108;
	_ =	swait.ge @!p0 [sflag:s8], $0x0  }
0x24: {  	s3 =	sadd.s32 $0x88, s3;
	s6 =	simm.s32 @!p1 $0x1082;
	[sflag:s4] =	ssyncset.s32 $0xFFFFF086  }
0x25: {  	[simem:s6], [sflag:s4] =	dma.local [hbm:s3], $0xF7A  }
0x26: {  	[smem:$0x3F9B] =	sst s1;
	(tag) =	ssettag s2;
	_ =	strace s9  }
0x27: {  	s1 =	sld [smem:$0x3FAB]  }
0x28: {  	s2 =	sld [smem:$0x3FAC]  }
0x29: {  	s4 =	sld [smem:$0x3FAE]  }
0x2a: {  	p0 =	seq.s32 s5, $0x0;
	s5 =	sld [smem:$0x3FAF]  }
0x2b: {  	s6 =	sld [smem:$0x3FB0]  }
0x2c: {  	s7 =	sld [smem:$0x3FB1]  }
0x2d: {  	s3 =	simm.s32 $0x108;
	s8 =	sld [smem:$0x3FB2]  }
0x2e: {  	s3 =	simm.s32 @!p0 $0x1082;
	s9 =	sld [smem:$0x3FB3]  }
0x2f: {  	lr =	sadd.s32 s0, s3;
	s0 =	sld [smem:$0x3FAA]  }
0x30: {  	s3 =	sld [smem:$0x3FAD]  }
0x31: {  	[smem:$0x3FB6] =	sst s10  }
0x32: {  	s10 =	sld [smem:$0x3FB4];
	_ =	sdelay $0x3  }
0x33: {  	p0 =	seq.s32 s10, $0x1;
	s10 =	sld [smem:$0x3FB6];
	_ =	sdelay $0x3  }
0x34: {  	[smem:$0x3FB6] =	sst s10  }
0x35: {  	s10 =	sld [smem:$0x3FB5];
	_ =	sdelay $0x3  }
0x36: {  	p1 =	seq.s32 s10, $0x1;
	s10 =	sld [smem:$0x3FB6];
	_ =	sdelay $0x3  }
0x37: {  	[smem:$0x3FB6] =	sst s10  }
0x38: {  	s10 =	sld [smem:$0x3FB7]  }
0x39: {  	_ = 	snop;
	(pc) =	sbr.ind lr, $3  }
0x3a: {  	_ = 	snop  }
0x3b: {  	_ = 	snop  }
0x3c: {  	p2 =	seq.s32 s10, $0x1;
	s10 =	sld [smem:$0x3FB6]  }
0x3d: {  	_ =	shalt  }
0x3e: {  	_ =	shalt  }
0x3f: {  	_ =	shalt  }
0x40: {  	_ =	shalt  }
0x41: {  	_ =	shalt  }
0x42: {  	_ =	shalt  }
0x43: {  	_ =	shalt  }
0x44: {  	_ =	shalt  }
0x45: {  	_ =	shalt  }
0x46: {  	_ =	shalt  }
0x47: {  	_ =	shalt  }
0x48: {  	_ =	shalt  }
0x49: {  	_ =	shalt  }
0x4a: {  	_ =	shalt  }
0x4b: {  	_ =	shalt  }
0x4c: {  	_ =	shalt  }
0x4d: {  	_ =	shalt  }
0x4e: {  	_ =	shalt  }
0x4f: {  	_ =	shalt  }
0x50: {  	_ =	shalt  }
0x51: {  	_ =	shalt  }
0x52: {  	_ =	shalt  }
0x53: {  	_ =	shalt  }
0x54: {  	_ =	shalt  }
0x55: {  	_ =	shalt  }
0x56: {  	_ =	shalt  }
0x57: {  	_ =	shalt  }
0x58: {  	_ =	shalt  }
0x59: {  	_ =	shalt  }
0x5a: {  	_ =	shalt  }
0x5b: {  	_ =	shalt  }
0x5c: {  	_ =	shalt  }
0x5d: {  	_ =	shalt  }
0x5e: {  	_ =	shalt  }
0x5f: {  	_ =	shalt  }
0x60: {  	_ =	shalt  }
0x61: {  	_ =	shalt  }
0x62: {  	_ =	shalt  }
0x63: {  	_ =	shalt  }
0x64: {  	_ =	shalt  }
0x65: {  	_ =	shalt  }
0x66: {  	_ =	shalt  }
0x67: {  	_ =	shalt  }
0x68: {  	_ =	shalt  }
0x69: {  	_ =	shalt  }
0x6a: {  	_ =	shalt  }
0x6b: {  	_ =	shalt  }
0x6c: {  	_ =	shalt  }
0x6d: {  	_ =	shalt  }
0x6e: {  	_ =	shalt  }
0x6f: {  	_ =	shalt  }
0x70: {  	_ =	shalt  }
0x71: {  	_ =	shalt  }
0x72: {  	_ =	shalt  }
0x73: {  	_ =	shalt  }
0x74: {  	_ =	shalt  }
0x75: {  	_ =	shalt  }
0x76: {  	_ =	shalt  }
0x77: {  	_ =	shalt  }
0x78: {  	_ =	shalt  }
0x79: {  	_ =	shalt  }
0x7a: {  	_ =	shalt  }
0x7b: {  	_ =	shalt  }
0x7c: {  	_ =	shalt  }
0x7d: {  	_ =	shalt  }
0x7e: {  	_ =	shalt  }
0x7f: {  	_ =	shalt  }
0x80: {  	_ =	shalt  }
0x81: {  	_ =	shalt  }
0x82: {  	_ =	shalt  }
0x83: {  	_ =	shalt  }
0x84: {  	_ =	shalt  }
0x85: {  	_ =	shalt  }
0x86: {  	_ =	shalt  }
0x87: {  	_ =	shalt  }
.Lfunc_end0:
.L_simem_size_0:
called_computation_lowered:
.L_overlay_start_0:
0x88: {  	s2 =	sld [smem:$0x3FD9]  }
0x89: {  	s3 =	sld [smem:$0x3FFE];
	_ =	sdelay $0x1  }
0x8a: {  	s1 =	srdreg.scid  }
0x8b: {  	s0 =	sand.u32 $0x1, s1  }
0x8c: {  	s17 =	sshll.u32 s0, $0xA;
	s2 =	sadd.s32 s3, s2  }
0x8d: {  	s2 =	sadd.s32 s2, s17  }
0x8e: {  	[smem:$0x3FC2] =	sst s2  }
0x8f: {  	_ = 	snop  }
0x90: {  	s2 =	sld [smem:$0x3FD0];
	(tm) =	ssettm $0x1  }
0x91: {  	s18 =	sld [smem:$0x3FFB];
	_ =	sdelay $0x3  }
0x92: {  	_ =	strace s18  }
0x93: {  	s3 =	sld [smem:$0x3FFC];
	_ =	sdelay $0x3  }
0x94: {  	_ =	strace s3  }
0x95: {  	s3 =	sld [smem:$0x3FFD];
	_ =	sdelay $0x3  }
0x96: {  	_ =	strace s3  }
0x97: {  	_ =	strace $0x8FFFFFFF  }
0x98: {  	s19 =	sld [smem:$0x3FDB];
	_ =	sdelay $0x1  }
0x99: {  	s4 =	simm.s32 $_scs_section_size  }
0x9a: {  	s5 =	simm.s32 $_size__tile_overlayer_lowered;
	s6 =	simm.s32 $_tile_overlayer_lowered  }
0x9b: {  	s22 =	simm.s32 $0x1BFF;
	s21 =	sshll.u32 s6, $0x1;
	s3 =	sadd.s32 s4, s19  }
0x9c: {  	s7 =	simm.s32 $0x0;
	s20 =	sshll.u32 s5, $0x1;
	s5 =	sadd.s32 s21, s3  }
0x9d: {  	[timem:s7], [sflag:s22] =	dma.local [hbm:s5], s20  }
0x9e: {  	_ =	swait.ge [sflag:s22], s20  }
0x9f: {  	s4 =	ssub.s32 $0x0, s20;
	[sflag:s22] =	ssyncset.done $0x0  }
0xa0: {  	[sflag:s22] =	ssyncadd.s32 s4;
	_ =	sdelay $0x1  }
0xa1: {  	s23 =	simm.s32 $0x1B8B  }
0xa2: {  	_ =	swait.ge [sflag:s23], $0x1  }
0xa3: {  	[sflag:s23] =	ssyncset.done $0x0  }
0xa4: {  	s25 =	simm.s32 $0x1B8E;
	s24 =	sld [smem:$0x3FFE];
	[sflag:s23] =	ssyncadd.s32 $0xFFFFFFFF  }
0xa5: {  	s26 =	simm.s32 $execute0_lowered;
	[smem:$0x3FD2] =	sst s25  }
0xa6: {  	s5 =	sshll.u32 s26, $0x1;
	_ =	strace $0x80000046;
	[dreg:$0x1] =	wrdreg $0xFFFFFFFF  }
0xa7: {  	s28 =	simm.s32 $_size_execute0_lowered;
	s3 =	sadd.s32 s3, s5;
	[dreg:$0x0] =	wrdreg $0x0  }
0xa8: {  	s5 =	sshll.u32 s28, $0x1;
	[dreg:$0x2] =	wrdreg s3  }
0xa9: {  	[dreg:$0x3] =	wrdreg s5  }
0xaa: {  	[dreg:$0x4] =	wrdreg $0xC0  }
0xab: {  	_ =	task [dreg:s7], $0x5FFFF  }
0xac: {  	[dreg:$0x1] =	wrdreg $0xFFFFFFFF  }
0xad: {  	[dreg:$0x0] =	wrdreg $0x60  }
0xae: {  	[dreg:$0x2] =	wrdreg s24  }
0xaf: {  	[dreg:$0x3] =	wrdreg s2  }
0xb0: {  	[dreg:$0x4] =	wrdreg $0x9  }
0xb1: {  	_ =	task.clear_ibuf [dreg:s7], $0x5FFFF;
	_ =	strace $0x90000046  }
0xb2: {  	s29 =	simm.s32 $0x9;
	_ =	strace $0x80000048  }
0xb3: {  	_ =	swait.ge [sflag:s29], $0x1  }
0xb4: {  	[sflag:s29] =	ssyncadd.s32 $0xFFFFFFFF  }
0xb5: {  	_ =	strace $0x90000048  }
0xb6: {  	_ =	sfence  }
0xb7: {  	s30 =	sld [smem:$0x0];
	_ =	sdelay $0x2  }
0xb8: {  	s31 =	sshll.u32 s1, $0xD;
	s1 =	sshrl.u32 s1, $0x2  }
0xb9: {  	s3 =	sand.u32 $0x4000, s31;
	s1 =	sadd.s32 s1, s30  }
0xba: {  	s0 =	sor.u32 s3, s0;
	s1 =	sshll.u32 s1, $0x11  }
0xbb: {  	s0 =	sor.u32 s1, s0  }
0xbc: {  	s0 =	sadd.s32 $0x8F2B, s0  }
0xbd: {  	[sflag:s0] =	ssyncadd.remote.s32 $0x1  }
0xbe: {  	_ =	sfence.sel $0xFFFF  }
0xbf: {  	[dreg:$0x0] =	wrdreg $0xFFFFFFFF;
	(pc) =	sbr.abs _section_cstart, $3  }
0xc0: {  	[dreg:$0x1] =	wrdreg $0xFFFFFFFF  }
0xc1: {  	_ =	task.clear_ibuf [dreg:s7], $0x2FFFF;
	_ =	strace $0x9FFFFFFF  }
0xc2: {  	(tm) =	ssettm $0x7FFFFFFF  }
0xc3: {  	_ =	shalt  }
tec
execute0_lowered:
.L_overlay_start_1:
0x0: {  	(tag) =	ssettag $0x1  }
0x1: {  	s4 =	rddreg [dreg:$0x0]  }
0x2: {  	s1 =	rddreg [dreg:$0x1]  }
0x3: {  	s2 =	srdreg.scid;
	s0 =	stileid.u32  }
0x4: {  	s29 =	simm.s32 $0x4880;
	s30 =	simm.s32 $0x5080;
	s31 =	simm.s32 $0x5880  }
0x5: {  	s8 =	simm.s32 $0x6080;
	s9 =	simm.s32 $0x6880;
	s10 =	simm.s32 $0x7880  }
0x6: {  	s11 =	simm.s32 $0x8080;
	s12 =	simm.s32 $0x8880;
	s13 =	simm.s32 $0x9080  }
0x7: {  	s14 =	simm.s32 $0x9880;
	s15 =	simm.s32 $0xA080;
	s16 =	simm.s32 $0xA880  }
0x8: {  	s17 =	simm.s32 $0xB080;
	s18 =	simm.s32 $0xB880;
	[dreg:$0x4] =	wrdreg s1  }
0x9: {  	s5 =	sand.u32 $0x1, s2;
	s1 =	rddreg [dreg:$0x2];
	s2 =	simm.s32 $0x0  }
0xa: {  	s19 =	simm.s32 $0x1;
	s7 =	sadd.s32 $0x3200, s4;
	[smem:$0x7FF] =	sst s2  }
0xb: {  	s26 =	sadd.s32 $0x27200, s4;
	_ =	strace $0x80000047;
	[dreg:$0x3] =	wrdreg s7  }
0xc: {  	s20 =	simm.s32 $0x2;
	s3 =	smul.u32 $0x900, s0;
	[dreg:$0x5] =	wrdreg s26  }
0xd: {  	s6 =	smul.u32 $0x480, s5;
	s5 =	ssub.s32 $0x2, s5;
	[dreg:$0x7] =	wrdreg s29  }
0xe: {  	s21 =	simm.s32 $0x0;
	s28 =	sshrl.u32 s5, $0x1;
	[dreg:$0x8] =	wrdreg s30  }
0xf: {  	[dreg:$0x9] =	wrdreg s31;
	s7 =	simm.s32 $0x80;
	s3 =	sadd.s32 s6, s3  }
0x10: {  	[dreg:$0xa] =	wrdreg s8;
	s8 =	simm.s32 $0x4080;
	s6 =	sshrl.u32 s3, $0x3  }
0x11: {  	v2 =	vlaneseq.u32;
	[dreg:$0xb] =	wrdreg s9;
	s5 =	ssub.s32 s5, s28;
	s6 =	sadd.s32 s6, s4  }
0x12: {  	vm0 =	vmmov $0xffff;
	v1 =	vshrl.u32 v2, $0x3;
	s9 =	simm.s32 $0x7080;
	s5 =	smax.u32 s5, $0x1;
	s6 =	sadd.s32 $0x2000, s6  }
0x13: {  	v0 =	vand.u32 $0x7, v2;
	v2 =	vor.u32 $0x8, v2;
	v1 =	vmul.u32 $0x8, v1;
	s4 =	sadd.s32 $0xB7200, s4;
	[dreg:$0x6] =	wrdreg s6;
	s6 =	simm.s32 $0x3  }
.LBB2_1:
0x14: {  	s22 =	smov.u32 s3;
	s23 =	simm.s32 $0x0  }
.LBB2_2:
0x15: {  	s24 =	smulhi.u32 $0x38E38E39, s22  }
0x16: {  	s25 =	rddreg [dreg:$0x6]  }
0x17: {  	s25 =	sadd.s32 s23, s25;
	s26 =	sshrl.u32 s24, $0xB  }
0x18: {  	[tilespmem:s2], [sflag:$0x3] =	stream.linear.gather [hbm4b:s25+s2], $0x80, $0x38;
	[tilespmem:$0xC080] =	vst v63  }
0x19: {  	s24 =	sshrl.u32 s24, $0x9;
	s26 =	smul.u32 $0x900, s26  }
0x1a: {  	s24 =	smul.u32 $0x900, s24  }
0x1b: {  	s29 =	sadd.s32 s26, s22  }
0x1c: {  	_ =	swait.ge [sflag:s6], $0x80;
	s24 =	ssub.s32 s29, s24  }
0x1d: {  	s30 =	rddreg [dreg:$0x3];
	[sflag:s6] =	ssyncset.done $0x0;
	s25 =	sshll.u32 s24, $0x4  }
0x1e: {  	[sflag:s6] =	ssyncadd.s32 $0xFFFFFF80;
	s25 =	sadd.s32 s30, s25  }
0x1f: {  	[tilespmem:s7], [sflag:$0x3] =	stream.linear.gather [hbm4b:s25+s2], $0x4000, $0x38;
	[tilespmem:$0xC080] =	vst v63  }
0x20: {  	_ =	swait.ge [sflag:s6], $0x4000  }
0x21: {  	s24 =	sshll.u32 s24, $0x5;
	s31 =	rddreg [dreg:$0x4];
	[sflag:s6] =	ssyncset.done $0x0  }
0x22: {  	[sflag:s6] =	ssyncadd.s32 $0xFFFFC000;
	s24 =	sadd.s32 s31, s24  }
0x23: {  	[tilespmem:s8], [sflag:$0x3] =	stream.linear.gather [hbm4b:s24+s2], $0x8000, $0x38;
	[tilespmem:$0xC080] =	vst v63  }
0x24: {  	_ =	swait.ge [sflag:s6], $0x8000  }
0x25: {  	[sflag:s6] =	ssyncset.done $0x0  }
0x26: {  	s25 =	rddreg [dreg:$0x5];
	[sflag:s6] =	ssyncadd.s32 $0xFFFF8000  }
0x27: {  	[hbm4b:s25+s7] =	stream.indirect.scatter [tilespmem:s7], [sflag:$0x1], $0x80, s2, s7, $0xb8;
	[tilespmem:$0xC080] =	vst v63  }
0x28: {  	v3 =	vld [tilespmem:$0x0];
	_ =	sdelay $0x4  }
0x29: {  	v4 =	vshll.u32 v3, $0x1  }
0x2a: {  	v3 =	vand.u32 $0x7, v3;
	v4 =	vand.u32 $0xFFFFFFF0, v4  }
0x2b: {  	v3 =	vor.u32 v3, v4  }
0x2c: {  	v4 =	vperm.xlane v3, v0;
	_ =	sdelay $0x1  }
0x2d: {  	v3 =	vperm.xlane v3, v2;
	v4 =	vadd.s32 v1, v4;
	_ =	sdelay $0x1  }
0x2e: {  	v3 =	vadd.s32 v1, v3;
	_ =	sdelay $0x2  }
0x2f: {  	[hbm4b:s4+s2] =	stream.indirect_vreg.scatter [tilespmem:s8], [sflag:$0x2], $0x80, v4, vm0, $0xb8;
	[tilespmem:$0xC080] =	vst v63  }
0x30: {  	s26 =	rddreg [dreg:$0x7]  }
0x31: {  	[hbm4b:s4+s2] =	stream.indirect_vreg.scatter [tilespmem:s26], [sflag:$0x2], $0x80, v3, vm0, $0xb8;
	[tilespmem:$0xC080] =	vst v63  }
0x32: {  	v3 =	vld [tilespmem:$0x10];
	_ =	sdelay $0x4  }
0x33: {  	v57 =	vshll.u32 v3, $0x1  }
0x34: {  	v3 =	vand.u32 $0x7, v3;
	v4 =	vand.u32 $0xFFFFFFF0, v57  }
0x35: {  	v3 =	vor.u32 v3, v4  }
0x36: {  	v4 =	vperm.xlane v3, v0;
	_ =	sdelay $0x1  }
0x37: {  	v3 =	vperm.xlane v3, v2;
	v4 =	vadd.s32 v1, v4;
	_ =	sdelay $0x1  }
0x38: {  	v3 =	vadd.s32 v1, v3;
	_ =	sdelay $0x1  }
0x39: {  	s28 =	rddreg [dreg:$0x8]  }
0x3a: {  	[hbm4b:s4+s2] =	stream.indirect_vreg.scatter [tilespmem:s28], [sflag:$0x2], $0x80, v4, vm0, $0xb8;
	[tilespmem:$0xC080] =	vst v63  }
0x3b: {  	s29 =	rddreg [dreg:$0x9]  }
0x3c: {  	[hbm4b:s4+s2] =	stream.indirect_vreg.scatter [tilespmem:s29], [sflag:$0x2], $0x80, v3, vm0, $0xb8;
	[tilespmem:$0xC080] =	vst v63  }
0x3d: {  	v3 =	vld [tilespmem:$0x20];
	_ =	sdelay $0x4  }
0x3e: {  	v58 =	vshll.u32 v3, $0x1  }
0x3f: {  	v3 =	vand.u32 $0x7, v3;
	v4 =	vand.u32 $0xFFFFFFF0, v58  }
0x40: {  	v3 =	vor.u32 v3, v4  }
0x41: {  	v4 =	vperm.xlane v3, v0;
	_ =	sdelay $0x1  }
0x42: {  	v3 =	vperm.xlane v3, v2;
	v4 =	vadd.s32 v1, v4;
	_ =	sdelay $0x1  }
0x43: {  	v3 =	vadd.s32 v1, v3;
	_ =	sdelay $0x1  }
0x44: {  	s30 =	rddreg [dreg:$0xa]  }
0x45: {  	[hbm4b:s4+s2] =	stream.indirect_vreg.scatter [tilespmem:s30], [sflag:$0x2], $0x80, v4, vm0, $0xb8;
	[tilespmem:$0xC080] =	vst v63  }
0x46: {  	s31 =	rddreg [dreg:$0xb]  }
0x47: {  	[hbm4b:s4+s2] =	stream.indirect_vreg.scatter [tilespmem:s31], [sflag:$0x2], $0x80, v3, vm0, $0xb8;
	[tilespmem:$0xC080] =	vst v63  }
0x48: {  	v3 =	vld [tilespmem:$0x30];
	_ =	sdelay $0x4  }
0x49: {  	v59 =	vshll.u32 v3, $0x1  }
0x4a: {  	v3 =	vand.u32 $0x7, v3;
	v4 =	vand.u32 $0xFFFFFFF0, v59  }
0x4b: {  	v3 =	vor.u32 v3, v4  }
0x4c: {  	v4 =	vperm.xlane v3, v0;
	_ =	sdelay $0x1  }
0x4d: {  	v3 =	vperm.xlane v3, v2;
	v4 =	vadd.s32 v1, v4;
	_ =	sdelay $0x1  }
0x4e: {  	v3 =	vadd.s32 v1, v3;
	_ =	sdelay $0x2  }
0x4f: {  	[hbm4b:s4+s2] =	stream.indirect_vreg.scatter [tilespmem:s9], [sflag:$0x2], $0x80, v4, vm0, $0xb8;
	[tilespmem:$0xC080] =	vst v63  }
0x50: {  	_ = 	snop  }
0x51: {  	[hbm4b:s4+s2] =	stream.indirect_vreg.scatter [tilespmem:s10], [sflag:$0x2], $0x80, v3, vm0, $0xb8;
	[tilespmem:$0xC080] =	vst v63  }
0x52: {  	v3 =	vld [tilespmem:$0x40];
	_ =	sdelay $0x4  }
0x53: {  	v60 =	vshll.u32 v3, $0x1  }
0x54: {  	v3 =	vand.u32 $0x7, v3;
	v4 =	vand.u32 $0xFFFFFFF0, v60  }
0x55: {  	v3 =	vor.u32 v3, v4  }
0x56: {  	v4 =	vperm.xlane v3, v0;
	_ =	sdelay $0x1  }
0x57: {  	v3 =	vperm.xlane v3, v2;
	v4 =	vadd.s32 v1, v4;
	_ =	sdelay $0x1  }
0x58: {  	v3 =	vadd.s32 v1, v3;
	_ =	sdelay $0x2  }
0x59: {  	[hbm4b:s4+s2] =	stream.indirect_vreg.scatter [tilespmem:s11], [sflag:$0x2], $0x80, v4, vm0, $0xb8;
	[tilespmem:$0xC080] =	vst v63  }
0x5a: {  	_ = 	snop  }
0x5b: {  	[hbm4b:s4+s2] =	stream.indirect_vreg.scatter [tilespmem:s12], [sflag:$0x2], $0x80, v3, vm0, $0xb8;
	[tilespmem:$0xC080] =	vst v63  }
0x5c: {  	v3 =	vld [tilespmem:$0x50];
	_ =	sdelay $0x4  }
0x5d: {  	v61 =	vshll.u32 v3, $0x1  }
0x5e: {  	v3 =	vand.u32 $0x7, v3;
	v4 =	vand.u32 $0xFFFFFFF0, v61  }
0x5f: {  	v3 =	vor.u32 v3, v4  }
0x60: {  	v4 =	vperm.xlane v3, v0;
	_ =	sdelay $0x1  }
0x61: {  	v3 =	vperm.xlane v3, v2;
	v4 =	vadd.s32 v1, v4;
	_ =	sdelay $0x1  }
0x62: {  	v3 =	vadd.s32 v1, v3;
	_ =	sdelay $0x2  }
0x63: {  	[hbm4b:s4+s2] =	stream.indirect_vreg.scatter [tilespmem:s13], [sflag:$0x2], $0x80, v4, vm0, $0xb8;
	[tilespmem:$0xC080] =	vst v63  }
0x64: {  	_ = 	snop  }
0x65: {  	[hbm4b:s4+s2] =	stream.indirect_vreg.scatter [tilespmem:s14], [sflag:$0x2], $0x80, v3, vm0, $0xb8;
	[tilespmem:$0xC080] =	vst v63  }
0x66: {  	v3 =	vld [tilespmem:$0x60];
	_ =	sdelay $0x4  }
0x67: {  	v62 =	vshll.u32 v3, $0x1  }
0x68: {  	v3 =	vand.u32 $0x7, v3;
	v4 =	vand.u32 $0xFFFFFFF0, v62  }
0x69: {  	v3 =	vor.u32 v3, v4  }
0x6a: {  	v4 =	vperm.xlane v3, v0;
	_ =	sdelay $0x1  }
0x6b: {  	v3 =	vperm.xlane v3, v2;
	v4 =	vadd.s32 v1, v4;
	_ =	sdelay $0x1  }
0x6c: {  	v3 =	vadd.s32 v1, v3;
	_ =	sdelay $0x2  }
0x6d: {  	[hbm4b:s4+s2] =	stream.indirect_vreg.scatter [tilespmem:s15], [sflag:$0x2], $0x80, v4, vm0, $0xb8;
	[tilespmem:$0xC080] =	vst v63  }
0x6e: {  	_ = 	snop  }
0x6f: {  	[hbm4b:s4+s2] =	stream.indirect_vreg.scatter [tilespmem:s16], [sflag:$0x2], $0x80, v3, vm0, $0xb8;
	[tilespmem:$0xC080] =	vst v63  }
0x70: {  	v3 =	vld [tilespmem:$0x70];
	_ =	sdelay $0x4  }
0x71: {  	v63 =	vshll.u32 v3, $0x1  }
0x72: {  	v3 =	vand.u32 $0x7, v3;
	v4 =	vand.u32 $0xFFFFFFF0, v63  }
0x73: {  	v3 =	vor.u32 v3, v4  }
0x74: {  	v4 =	vperm.xlane v3, v0;
	_ =	sdelay $0x1  }
0x75: {  	v3 =	vperm.xlane v3, v2;
	v4 =	vadd.s32 v1, v4;
	_ =	sdelay $0x1  }
0x76: {  	v3 =	vadd.s32 v1, v3;
	_ =	sdelay $0x2  }
0x77: {  	[hbm4b:s4+s2] =	stream.indirect_vreg.scatter [tilespmem:s17], [sflag:$0x2], $0x80, v4, vm0, $0xb8;
	[tilespmem:$0xC080] =	vst v63  }
0x78: {  	_ = 	snop  }
0x79: {  	[hbm4b:s4+s2] =	stream.indirect_vreg.scatter [tilespmem:s18], [sflag:$0x2], $0x80, v3, vm0, $0xb8;
	[tilespmem:$0xC080] =	vst v63  }
0x7a: {  	p0 =	sne.s32 s23, $0x80;
	_ =	swait.ge [sflag:s19], $0x4000  }
.Ltmp0:
0x7b: {  	[sflag:s19] =	ssyncset.done $0x0;
	(pc) =	sbr.rel @p0 .LBB2_2-.Ltmp0, $4  }
0x7c: {  	[sflag:s19] =	ssyncadd.s32 $0xFFFFC000  }
0x7d: {  	_ =	swait.ge [sflag:s20], $0x8000  }
0x7e: {  	[sflag:s20] =	ssyncset.done $0x0  }
0x7f: {  	s23 =	sadd.s32 $0x10, s23;
	s22 =	sadd.s32 $0x80, s22;
	[sflag:s20] =	ssyncadd.s32 $0xFFFF8000  }
0x80: {  	s21 =	sadd.s32 $0x1, s21  }
0x81: {  	p0 =	sne.s32 s21, s5  }
.Ltmp1:
0x82: {  	_ = 	snop;
	(pc) =	sbr.rel @p0 .LBB2_1-.Ltmp1, $1  }
0x83: {  	_ =	sdelay $0x3  }
0x84: {  	_ =	sfence.sel $0x180000  }
0x85: {  	[bflag:$0x0] =	sbarrier.arrive $0xFFFF  }
0x86: {  	p0 =	sne.s32 s0, $0x0;
	_ =	strace $0x90000047  }
0x87: {  	s0 =	sadd.s32 @!p0 $0x100000, s1;
	[bflag:$0x2] =	sbarrier.arrive $0xFFFF  }
0x88: {  	[sflag:s0] =	ssyncadd.tile.s32 @!p0 $0x1;
	_ =	shalt  }
.Lfunc_end2:
_tile_overlayer_lowered:
.L_overlay_start_2:
0x89: {  	(tag) =	ssettag $0x2  }
0x8a: {  	s0 =	rddreg [dreg:$0x0];
	s2 =	stileid.u32  }
0x8b: {  	s1 =	rddreg [dreg:$0x1];
	p0 =	sne.s32 s2, $0x0  }
0x8c: {  	s3 =	rddreg [dreg:$0x2];
	[bflag:$0x3] =	sbarrier.arrive $0xFFFF;
	s2 =	simm.s32 @!p0 $0x1C03  }
0x8d: {  	[timem:s3], [sflag:s2] =	dma.local @!p0 [hbm:s0], s1  }
0x8e: {  	s0 =	simm.s32 @!p0 $0x3  }
0x8f: {  	_ =	swait.ge @!p0 [sflag:s0], s1  }
0x90: {  	s1 =	ssub.s32 @!p0 $0x0, s1;
	[sflag:s0] =	ssyncset.done @!p0 $0x0  }
0x91: {  	[sflag:s0] =	ssyncadd.s32 @!p0 s1  }
0x92: {  	[bflag:$0x3] =	sbarrier.arrive $0xFFFF  }
0x93: {  	_ =	shalt  }

</sc_bundles>
